<compile_context>
chip_gen: v7x
topology: tpu7x:2x2x1
jax: 0.10.2.dev20260603
libtpu: 0.0.44.dev20260713+nightly
codegen_flags: <defaults>
</compile_context>

<pallas_src>
import functools

import jax
import jax.numpy as jnp
from jax import lax
from jax.experimental import pallas as pl
from jax.experimental.pallas import tpu as pltpu
from jax.experimental.pallas import tpu_sc as plsc

MAXLEN = 200
EMBED = 64
HALF = MAXLEN // 2
NBUF = 2


def _make_kernel(batch, vocab):
    info = plsc.get_sparse_core_info()
    nc, ns = info.num_cores, info.num_subcores
    nw = nc * ns
    rows_w = batch // nw
    assert batch % nw == 0

    mesh = plsc.VectorSubcoreMesh(core_axis_name="c", subcore_axis_name="s")

    @functools.partial(
        pl.kernel,
        out_type=jax.ShapeDtypeStruct((batch, MAXLEN, EMBED), jnp.float32),
        mesh=mesh,
        scratch_types=[
            pltpu.VMEM((rows_w, 2, HALF), jnp.int32),
            pltpu.VMEM((MAXLEN, EMBED), jnp.float32),
            [pltpu.VMEM((MAXLEN, EMBED), jnp.float32) for _ in range(NBUF)],
            [pltpu.VMEM((MAXLEN, EMBED), jnp.float32) for _ in range(NBUF)],
            [pltpu.SemaphoreType.DMA for _ in range(NBUF)],
            [pltpu.SemaphoreType.DMA for _ in range(NBUF)],
        ],
        compiler_params=pltpu.CompilerParams(use_tc_tiling_on_sc=False),
    )
    def kern(x_hbm, tok_hbm, pos_hbm, out_hbm,
             idx_v, pos_v, tokbufs, outbufs, gsems, osems):
        wid = lax.axis_index("s") * nc + lax.axis_index("c")
        r0 = wid * rows_w

        pltpu.sync_copy(x_hbm.at[pl.ds(r0, rows_w)], idx_v)
        pltpu.sync_copy(pos_hbm, pos_v)

        def gathers(r, b):
            return [
                pltpu.make_async_copy(
                    tok_hbm.at[idx_v.at[r, h]],
                    tokbufs[b].at[pl.ds(h * HALF, HALF)],
                    gsems[b])
                for h in range(2)
            ]

        def put(r, b):
            return pltpu.make_async_copy(
                outbufs[b], out_hbm.at[r0 + r], osems[b])

        for b in range(NBUF):
            for c in gathers(b, b):
                c.start()

        def body(ro, _):
            for b in range(NBUF):
                r = ro + b
                @pl.when(r >= NBUF)
                def _():
                    put(r - NBUF, b).wait()
                for c in gathers(r, b):
                    c.wait()

                def add_row(j, _):
                    for k in range(EMBED // 16):
                        sl = pl.ds(k * 16, 16)
                        outbufs[b][j, sl] = tokbufs[b][j, sl] + pos_v[j, sl]
                    return 0

                lax.fori_loop(0, MAXLEN, add_row, 0)

                @pl.when(r + NBUF < rows_w)
                def _():
                    for c in gathers(r + NBUF, b):
                        c.start()
                put(r, b).start()
            return 0

        lax.fori_loop(0, rows_w // NBUF, lambda i, c: body(i * NBUF, c), 0,
                      unroll=False)

        for b in range(NBUF):
            put(rows_w - NBUF + b, b).wait()

    return kern


def kernel(x, token_table, pos_table):
    batch, maxlen = x.shape
    vocab, embed = token_table.shape
    assert maxlen == MAXLEN and embed == EMBED
    xf = x.reshape(batch, 2, HALF).astype(jnp.int32)
    return _make_kernel(batch, vocab)(xf, token_table, pos_table)

# --- scband reference (transcript-rebuilt; emitter-appended) ---
"""Pipeline reference for scband-token-and-position-embedding-87729001988419 (READ-ONLY COPY).

The authoritative reference and input builder live on the scoring server;
editing this copy changes nothing except your own understanding.
"""

import jax, jax.numpy as jnp
import numpy as np

MAXLEN = 200
VOCAB = 1000000
EMBED = 64
BATCH = 4096

def setup_inputs(seed: int = 0) -> dict:
    key = jax.random.key(seed)
    k1, k2, k3 = jax.random.split(key, 3)
    x = jax.random.randint(k1, (BATCH, MAXLEN), 0, VOCAB, dtype=jnp.int64 if jax.config.jax_enable_x64 else jnp.int32)
    token_table = jax.random.normal(k2, (VOCAB, EMBED), dtype=jnp.float32) * 0.02
    pos_table = jax.random.normal(k3, (MAXLEN, EMBED), dtype=jnp.float32) * 0.02
    return {"x": x, "token_table": token_table, "pos_table": pos_table}

def reference(x, token_table, pos_table):
    # Faithful translation of TokenAndPositionEmbedding.call
    maxlen = x.shape[-1]
    positions = jnp.arange(0, maxlen, 1)
    pos = jnp.take(pos_table, positions, axis=0)      # pos_emb(positions)
    tok = jnp.take(token_table, x, axis=0)            # token_emb(x)
    return tok + pos[None, :, :]

if __name__ == "__main__":
    import jax
    _d = setup_inputs()
    print(jax.jit(kernel)(*tuple(_d.values())))

</pallas_src>

<mosaic_0001>
#map = affine_map<(d0, d1) -> (0, 0, 0)>
#map1 = affine_map<(d0, d1) -> (0, 0)>
module attributes {stable_mosaic.version = 14 : i64} {
  func.func @kern(%arg0: i32, %arg1: i32, %arg2: memref<4096x2x100xi32, #tpu.memory_space<hbm>>, %arg3: memref<1000000x64xf32, #tpu.memory_space<hbm>>, %arg4: memref<200x64xf32, #tpu.memory_space<hbm>>, %arg5: memref<4096x200x64xf32, #tpu.memory_space<hbm>>, %arg6: memref<128x2x100xi32, #tpu.memory_space<vmem>>, %arg7: memref<200x64xf32, #tpu.memory_space<vmem>>, %arg8: memref<200x64xf32, #tpu.memory_space<vmem>>, %arg9: memref<200x64xf32, #tpu.memory_space<vmem>>, %arg10: memref<200x64xf32, #tpu.memory_space<vmem>>, %arg11: memref<200x64xf32, #tpu.memory_space<vmem>>, %arg12: memref<!tpu.dma_semaphore, #tpu.memory_space<semaphore_mem>>, %arg13: memref<!tpu.dma_semaphore, #tpu.memory_space<semaphore_mem>>, %arg14: memref<!tpu.dma_semaphore, #tpu.memory_space<semaphore_mem>>, %arg15: memref<!tpu.dma_semaphore, #tpu.memory_space<semaphore_mem>>) attributes {dimension_semantics = [#tpu.dimension_semantics<core_parallel>, #tpu.dimension_semantics<subcore_parallel>], iteration_bounds = array<i64: 2, 16>, scalar_prefetch = 0 : i64, scratch_operands = 10 : i64, tpu.core_type = #tpu.core_type<sc_vector_subcore>, window_params = [{transform_indices = #map}, {transform_indices = #map1}, {transform_indices = #map1}, {transform_indices = #map}]} {
    %mul3A = arith.constant 2 : i32
    %mul3A_0 = arith.muli %arg1, %mul3A : i32
    %add3A = arith.addi %mul3A_0, %arg0 : i32
    %mul3A_1 = arith.constant 128 : i32
    %mul3A_2 = arith.muli %add3A, %mul3A_1 : i32
    "tpu.region"() ({
      %run_scoped3A = tpu.sem_alloc : memref<!tpu.dma_semaphore, #tpu.memory_space<semaphore_mem>>
      %dma_start3A_71 = arith.constant 0 : i32
      %dma_start3A_72 = arith.constant 0 : i32
      %dma_start3A_73 = tpu.memref_slice %arg2[%mul3A_2, %dma_start3A_71, %dma_start3A_72] : memref<4096x2x100xi32, #tpu.memory_space<hbm>> -> memref<128x2x100xi32, #tpu.memory_space<hbm>>
      %dma_start3A_74 = arith.constant 0 : i32
      %dma_start3A_75 = arith.constant 0 : i32
      %dma_start3A_76 = tpu.memref_slice %arg2[%mul3A_2, %dma_start3A_74, %dma_start3A_75] : memref<4096x2x100xi32, #tpu.memory_space<hbm>> -> memref<128x2x100xi32, #tpu.memory_space<hbm>>
      tpu.enqueue_dma source(%dma_start3A_76 : memref<128x2x100xi32, #tpu.memory_space<hbm>>) target(%arg6 : memref<128x2x100xi32, #tpu.memory_space<vmem>>) target_semaphore(%run_scoped3A : memref<!tpu.dma_semaphore, #tpu.memory_space<semaphore_mem>>)
      %dma_wait3A_77 = arith.constant 0 : i32
      %dma_wait3A_78 = arith.constant 0 : i32
      %dma_wait3A_79 = tpu.memref_slice %arg2[%mul3A_2, %dma_wait3A_77, %dma_wait3A_78] : memref<4096x2x100xi32, #tpu.memory_space<hbm>> -> memref<128x2x100xi32, #tpu.memory_space<hbm>>
      %dma_wait3A_80 = arith.constant 0 : i32
      %dma_wait3A_81 = arith.constant 0 : i32
      %dma_wait3A_82 = tpu.memref_slice %arg2[%mul3A_2, %dma_wait3A_80, %dma_wait3A_81] : memref<4096x2x100xi32, #tpu.memory_space<hbm>> -> memref<128x2x100xi32, #tpu.memory_space<hbm>>
      tpu.wait_dma2 semaphore(%run_scoped3A : memref<!tpu.dma_semaphore, #tpu.memory_space<semaphore_mem>>) src(%dma_wait3A_82 : memref<128x2x100xi32, #tpu.memory_space<hbm>>) dst(%arg6 : memref<128x2x100xi32, #tpu.memory_space<vmem>>)
      tpu.yield
    }) : () -> ()
    "tpu.region"() ({
      %run_scoped3A = tpu.sem_alloc : memref<!tpu.dma_semaphore, #tpu.memory_space<semaphore_mem>>
      tpu.enqueue_dma source(%arg4 : memref<200x64xf32, #tpu.memory_space<hbm>>) target(%arg7 : memref<200x64xf32, #tpu.memory_space<vmem>>) target_semaphore(%run_scoped3A : memref<!tpu.dma_semaphore, #tpu.memory_space<semaphore_mem>>)
      tpu.wait_dma2 semaphore(%run_scoped3A : memref<!tpu.dma_semaphore, #tpu.memory_space<semaphore_mem>>) src(%arg4 : memref<200x64xf32, #tpu.memory_space<hbm>>) dst(%arg7 : memref<200x64xf32, #tpu.memory_space<vmem>>)
      tpu.yield
    }) : () -> ()
    %dma_start3A = arith.constant 0 : i32
    %dma_start3A_3 = arith.constant 0 : i32
    %dma_start3A_4 = arith.constant 0 : i32
    %dma_start3A_5 = arith.constant 0 : i32
    %dma_start3A_6 = tpu.memref_slice %arg8[%dma_start3A_4, %dma_start3A_5] : memref<200x64xf32, #tpu.memory_space<vmem>> -> memref<100x64xf32, #tpu.memory_space<vmem>>
    %dma_start3A_7 = arith.constant 0 : i32
    %dma_start3A_8 = tpu.memref_slice %arg6[%dma_start3A, %dma_start3A_3, %dma_start3A_7] : memref<128x2x100xi32, #tpu.memory_space<vmem>> -> memref<1x1x100xi32, #tpu.memory_space<vmem>>
    %dma_start3A_9 = tpu.memref_squeeze %dma_start3A_8 : memref<1x1x100xi32, #tpu.memory_space<vmem>> -> memref<100xi32, #tpu.memory_space<vmem>>
    %dma_start3A_10 = arith.constant 0 : i32
    %dma_start3A_11 = arith.constant 0 : i32
    %dma_start3A_12 = tpu.memref_slice %arg3[%dma_start3A_10, %dma_start3A_11] : memref<1000000x64xf32, #tpu.memory_space<hbm>> -> memref<1000000x64xf32, #tpu.memory_space<hbm>>
    tpu.enqueue_indirect_dma source(%dma_start3A_12 : memref<1000000x64xf32, #tpu.memory_space<hbm>>) target(%dma_start3A_6 : memref<100x64xf32, #tpu.memory_space<vmem>>) offsets(%dma_start3A_9 : memref<100xi32, #tpu.memory_space<vmem>>) semaphore(%arg12 : memref<!tpu.dma_semaphore, #tpu.memory_space<semaphore_mem>>)
    %dma_start3A_13 = arith.constant 0 : i32
    %dma_start3A_14 = arith.constant 1 : i32
    %dma_start3A_15 = arith.constant 100 : i32
    %dma_start3A_16 = arith.constant 0 : i32
    %dma_start3A_17 = tpu.memref_slice %arg8[%dma_start3A_15, %dma_start3A_16] : memref<200x64xf32, #tpu.memory_space<vmem>> -> memref<100x64xf32, #tpu.memory_space<vmem>>
    %dma_start3A_18 = arith.constant 0 : i32
    %dma_start3A_19 = tpu.memref_slice %arg6[%dma_start3A_13, %dma_start3A_14, %dma_start3A_18] : memref<128x2x100xi32, #tpu.memory_space<vmem>> -> memref<1x1x100xi32, #tpu.memory_space<vmem>>
    %dma_start3A_20 = tpu.memref_squeeze %dma_start3A_19 : memref<1x1x100xi32, #tpu.memory_space<vmem>> -> memref<100xi32, #tpu.memory_space<vmem>>
    %dma_start3A_21 = arith.constant 0 : i32
    %dma_start3A_22 = arith.constant 0 : i32
    %dma_start3A_23 = tpu.memref_slice %arg3[%dma_start3A_21, %dma_start3A_22] : memref<1000000x64xf32, #tpu.memory_space<hbm>> -> memref<1000000x64xf32, #tpu.memory_space<hbm>>
    tpu.enqueue_indirect_dma source(%dma_start3A_23 : memref<1000000x64xf32, #tpu.memory_space<hbm>>) target(%dma_start3A_17 : memref<100x64xf32, #tpu.memory_space<vmem>>) offsets(%dma_start3A_20 : memref<100xi32, #tpu.memory_space<vmem>>) semaphore(%arg12 : memref<!tpu.dma_semaphore, #tpu.memory_space<semaphore_mem>>)
    %dma_start3A_24 = arith.constant 1 : i32
    %dma_start3A_25 = arith.constant 0 : i32
    %dma_start3A_26 = arith.constant 0 : i32
    %dma_start3A_27 = arith.constant 0 : i32
    %dma_start3A_28 = tpu.memref_slice %arg9[%dma_start3A_26, %dma_start3A_27] : memref<200x64xf32, #tpu.memory_space<vmem>> -> memref<100x64xf32, #tpu.memory_space<vmem>>
    %dma_start3A_29 = arith.constant 0 : i32
    %dma_start3A_30 = tpu.memref_slice %arg6[%dma_start3A_24, %dma_start3A_25, %dma_start3A_29] : memref<128x2x100xi32, #tpu.memory_space<vmem>> -> memref<1x1x100xi32, #tpu.memory_space<vmem>>
    %dma_start3A_31 = tpu.memref_squeeze %dma_start3A_30 : memref<1x1x100xi32, #tpu.memory_space<vmem>> -> memref<100xi32, #tpu.memory_space<vmem>>
    %dma_start3A_32 = arith.constant 0 : i32
    %dma_start3A_33 = arith.constant 0 : i32
    %dma_start3A_34 = tpu.memref_slice %arg3[%dma_start3A_32, %dma_start3A_33] : memref<1000000x64xf32, #tpu.memory_space<hbm>> -> memref<1000000x64xf32, #tpu.memory_space<hbm>>
    tpu.enqueue_indirect_dma source(%dma_start3A_34 : memref<1000000x64xf32, #tpu.memory_space<hbm>>) target(%dma_start3A_28 : memref<100x64xf32, #tpu.memory_space<vmem>>) offsets(%dma_start3A_31 : memref<100xi32, #tpu.memory_space<vmem>>) semaphore(%arg13 : memref<!tpu.dma_semaphore, #tpu.memory_space<semaphore_mem>>)
    %dma_start3A_35 = arith.constant 1 : i32
    %dma_start3A_36 = arith.constant 1 : i32
    %dma_start3A_37 = arith.constant 100 : i32
    %dma_start3A_38 = arith.constant 0 : i32
    %dma_start3A_39 = tpu.memref_slice %arg9[%dma_start3A_37, %dma_start3A_38] : memref<200x64xf32, #tpu.memory_space<vmem>> -> memref<100x64xf32, #tpu.memory_space<vmem>>
    %dma_start3A_40 = arith.constant 0 : i32
    %dma_start3A_41 = tpu.memref_slice %arg6[%dma_start3A_35, %dma_start3A_36, %dma_start3A_40] : memref<128x2x100xi32, #tpu.memory_space<vmem>> -> memref<1x1x100xi32, #tpu.memory_space<vmem>>
    %dma_start3A_42 = tpu.memref_squeeze %dma_start3A_41 : memref<1x1x100xi32, #tpu.memory_space<vmem>> -> memref<100xi32, #tpu.memory_space<vmem>>
    %dma_start3A_43 = arith.constant 0 : i32
    %dma_start3A_44 = arith.constant 0 : i32
    %dma_start3A_45 = tpu.memref_slice %arg3[%dma_start3A_43, %dma_start3A_44] : memref<1000000x64xf32, #tpu.memory_space<hbm>> -> memref<1000000x64xf32, #tpu.memory_space<hbm>>
    tpu.enqueue_indirect_dma source(%dma_start3A_45 : memref<1000000x64xf32, #tpu.memory_space<hbm>>) target(%dma_start3A_39 : memref<100x64xf32, #tpu.memory_space<vmem>>) offsets(%dma_start3A_42 : memref<100xi32, #tpu.memory_space<vmem>>) semaphore(%arg13 : memref<!tpu.dma_semaphore, #tpu.memory_space<semaphore_mem>>)
    %scan3A = arith.constant 0 : i32
    %scan3A_46 = arith.constant 0 : i32
    %scan3A_47 = arith.constant 64 : i32
    %scan3A_48 = arith.addi %scan3A_46, %scan3A_47 : i32
    %scan3A_49 = arith.constant 1 : i32
    %scan3A_50 = scf.for %scan3A_71 = %scan3A_46 to %scan3A_48 step %scan3A_49 iter_args(%scan3A_72 = %scan3A) -> (i32)  : i32 {
      %mul3A_73 = arith.constant 2 : i32
      %mul3A_74 = arith.muli %scan3A_71, %mul3A_73 : i32
      %add3A_75 = arith.constant 0 : i32
      %add3A_76 = arith.addi %mul3A_74, %add3A_75 : i32
      %ge3A = arith.constant 2 : i32
      %ge3A_77 = arith.cmpi sge, %add3A_76, %ge3A : i32
      %convert_element_type3A = arith.extui %ge3A_77 : i1 to i32
      %cond3A = arith.constant 0 : i32
      %cond3A_78 = arith.cmpi ne, %convert_element_type3A, %cond3A : i32
      scf.if %cond3A_78 {
        %sub3A = arith.constant 2 : i32
        %sub3A_172 = arith.subi %add3A_76, %sub3A : i32
        %add3A_173 = arith.addi %mul3A_2, %sub3A_172 : i32
        %dma_wait3A_174 = arith.constant 0 : i32
        %dma_wait3A_175 = arith.constant 0 : i32
        %dma_wait3A_176 = tpu.memref_slice %arg5[%add3A_173, %dma_wait3A_174, %dma_wait3A_175] : memref<4096x200x64xf32, #tpu.memory_space<hbm>> -> memref<1x200x64xf32, #tpu.memory_space<hbm>>
        %dma_wait3A_177 = tpu.memref_squeeze %dma_wait3A_176 : memref<1x200x64xf32, #tpu.memory_space<hbm>> -> memref<200x64xf32, #tpu.memory_space<hbm>>
        %dma_wait3A_178 = arith.constant 0 : i32
        %dma_wait3A_179 = arith.constant 0 : i32
        %dma_wait3A_180 = tpu.memref_slice %arg5[%add3A_173, %dma_wait3A_178, %dma_wait3A_179] : memref<4096x200x64xf32, #tpu.memory_space<hbm>> -> memref<1x200x64xf32, #tpu.memory_space<hbm>>
        %dma_wait3A_181 = tpu.memref_squeeze %dma_wait3A_180 : memref<1x200x64xf32, #tpu.memory_space<hbm>> -> memref<200x64xf32, #tpu.memory_space<hbm>>
        tpu.wait_dma2 semaphore(%arg14 : memref<!tpu.dma_semaphore, #tpu.memory_space<semaphore_mem>>) src(%arg10 : memref<200x64xf32, #tpu.memory_space<vmem>>) dst(%dma_wait3A_181 : memref<200x64xf32, #tpu.memory_space<hbm>>)
      } else {
      }
      %dma_wait3A_79 = arith.constant 0 : i32
      %dma_wait3A_80 = arith.constant 0 : i32
      %dma_wait3A_81 = arith.constant 0 : i32
      %dma_wait3A_82 = tpu.memref_slice %arg8[%dma_wait3A_80, %dma_wait3A_81] : memref<200x64xf32, #tpu.memory_space<vmem>> -> memref<100x64xf32, #tpu.memory_space<vmem>>
      %dma_wait3A_83 = arith.constant 0 : i32
      %dma_wait3A_84 = tpu.memref_slice %arg6[%add3A_76, %dma_wait3A_79, %dma_wait3A_83] : memref<128x2x100xi32, #tpu.memory_space<vmem>> -> memref<1x1x100xi32, #tpu.memory_space<vmem>>
      %dma_wait3A_85 = tpu.memref_squeeze %dma_wait3A_84 : memref<1x1x100xi32, #tpu.memory_space<vmem>> -> memref<100xi32, #tpu.memory_space<vmem>>
      %dma_wait3A_86 = arith.constant 0 : i32
      %dma_wait3A_87 = arith.constant 0 : i32
      %dma_wait3A_88 = tpu.memref_slice %arg3[%dma_wait3A_86, %dma_wait3A_87] : memref<1000000x64xf32, #tpu.memory_space<hbm>> -> memref<1000000x64xf32, #tpu.memory_space<hbm>>
      tpu.wait_indirect_dma semaphore(%arg12 : memref<!tpu.dma_semaphore, #tpu.memory_space<semaphore_mem>>) src(%dma_wait3A_88 : memref<1000000x64xf32, #tpu.memory_space<hbm>>) dst(%dma_wait3A_82 : memref<100x64xf32, #tpu.memory_space<vmem>>)
      %dma_wait3A_89 = arith.constant 1 : i32
      %dma_wait3A_90 = arith.constant 100 : i32
      %dma_wait3A_91 = arith.constant 0 : i32
      %dma_wait3A_92 = tpu.memref_slice %arg8[%dma_wait3A_90, %dma_wait3A_91] : memref<200x64xf32, #tpu.memory_space<vmem>> -> memref<100x64xf32, #tpu.memory_space<vmem>>
      %dma_wait3A_93 = arith.constant 0 : i32
      %dma_wait3A_94 = tpu.memref_slice %arg6[%add3A_76, %dma_wait3A_89, %dma_wait3A_93] : memref<128x2x100xi32, #tpu.memory_space<vmem>> -> memref<1x1x100xi32, #tpu.memory_space<vmem>>
      %dma_wait3A_95 = tpu.memref_squeeze %dma_wait3A_94 : memref<1x1x100xi32, #tpu.memory_space<vmem>> -> memref<100xi32, #tpu.memory_space<vmem>>
      %dma_wait3A_96 = arith.constant 0 : i32
      %dma_wait3A_97 = arith.constant 0 : i32
      %dma_wait3A_98 = tpu.memref_slice %arg3[%dma_wait3A_96, %dma_wait3A_97] : memref<1000000x64xf32, #tpu.memory_space<hbm>> -> memref<1000000x64xf32, #tpu.memory_space<hbm>>
      tpu.wait_indirect_dma semaphore(%arg12 : memref<!tpu.dma_semaphore, #tpu.memory_space<semaphore_mem>>) src(%dma_wait3A_98 : memref<1000000x64xf32, #tpu.memory_space<hbm>>) dst(%dma_wait3A_92 : memref<100x64xf32, #tpu.memory_space<vmem>>)
      %scan3A_99 = arith.constant 0 : i32
      %scan3A_100 = arith.constant 0 : i32
      %scan3A_101 = arith.constant 200 : i32
      %scan3A_102 = arith.addi %scan3A_100, %scan3A_101 : i32
      %scan3A_103 = arith.constant 1 : i32
      %scan3A_104 = scf.for %scan3A_172 = %scan3A_100 to %scan3A_102 step %scan3A_103 iter_args(%scan3A_173 = %scan3A_99) -> (i32)  : i32 {
        %get3A = arith.index_cast %scan3A_172 : i32 to index
        %get3A_174 = arith.constant 0 : index
        %get3A_175 = tpu.vector_load %arg8[%get3A, %get3A_174] {strides = array<i32>} : memref<200x64xf32, #tpu.memory_space<vmem>>, vector<1x16xf32>,
        %get3A_176 = vector.shape_cast %get3A_175 : vector<1x16xf32> to vector<16xf32>
        %get3A_177 = arith.index_cast %scan3A_172 : i32 to index
        %get3A_178 = arith.constant 0 : index
        %get3A_179 = tpu.vector_load %arg7[%get3A_177, %get3A_178] {strides = array<i32>} : memref<200x64xf32, #tpu.memory_space<vmem>>, vector<1x16xf32>,
        %get3A_180 = vector.shape_cast %get3A_179 : vector<1x16xf32> to vector<16xf32>
        %add3A_181 = arith.addf %get3A_176, %get3A_180 : vector<16xf32>
        %swap3A = arith.index_cast %scan3A_172 : i32 to index
        %swap3A_182 = arith.constant 0 : index
        %swap3A_183 = tpu.vector_load %arg10[%swap3A, %swap3A_182] {strides = array<i32>} : memref<200x64xf32, #tpu.memory_space<vmem>>, vector<1x16xf32>,
        %swap3A_184 = vector.shape_cast %swap3A_183 : vector<1x16xf32> to vector<16xf32>
        %swap3A_185 = vector.shape_cast %add3A_181 : vector<16xf32> to vector<1x16xf32>
        tpu.vector_store %arg10[%swap3A, %swap3A_182], %swap3A_185 {strides = array<i32>} : memref<200x64xf32, #tpu.memory_space<vmem>>, vector<1x16xf32>,
        %get3A_186 = arith.index_cast %scan3A_172 : i32 to index
        %get3A_187 = arith.constant 16 : index
        %get3A_188 = tpu.vector_load %arg8[%get3A_186, %get3A_187] {strides = array<i32>} : memref<200x64xf32, #tpu.memory_space<vmem>>, vector<1x16xf32>,
        %get3A_189 = vector.shape_cast %get3A_188 : vector<1x16xf32> to vector<16xf32>
        %get3A_190 = arith.index_cast %scan3A_172 : i32 to index
        %get3A_191 = arith.constant 16 : index
        %get3A_192 = tpu.vector_load %arg7[%get3A_190, %get3A_191] {strides = array<i32>} : memref<200x64xf32, #tpu.memory_space<vmem>>, vector<1x16xf32>,
        %get3A_193 = vector.shape_cast %get3A_192 : vector<1x16xf32> to vector<16xf32>
        %add3A_194 = arith.addf %get3A_189, %get3A_193 : vector<16xf32>
        %swap3A_195 = arith.index_cast %scan3A_172 : i32 to index
        %swap3A_196 = arith.constant 16 : index
        %swap3A_197 = tpu.vector_load %arg10[%swap3A_195, %swap3A_196] {strides = array<i32>} : memref<200x64xf32, #tpu.memory_space<vmem>>, vector<1x16xf32>,
        %swap3A_198 = vector.shape_cast %swap3A_197 : vector<1x16xf32> to vector<16xf32>
        %swap3A_199 = vector.shape_cast %add3A_194 : vector<16xf32> to vector<1x16xf32>
        tpu.vector_store %arg10[%swap3A_195, %swap3A_196], %swap3A_199 {strides = array<i32>} : memref<200x64xf32, #tpu.memory_space<vmem>>, vector<1x16xf32>,
        %get3A_200 = arith.index_cast %scan3A_172 : i32 to index
        %get3A_201 = arith.constant 32 : index
        %get3A_202 = tpu.vector_load %arg8[%get3A_200, %get3A_201] {strides = array<i32>} : memref<200x64xf32, #tpu.memory_space<vmem>>, vector<1x16xf32>,
        %get3A_203 = vector.shape_cast %get3A_202 : vector<1x16xf32> to vector<16xf32>
        %get3A_204 = arith.index_cast %scan3A_172 : i32 to index
        %get3A_205 = arith.constant 32 : index
        %get3A_206 = tpu.vector_load %arg7[%get3A_204, %get3A_205] {strides = array<i32>} : memref<200x64xf32, #tpu.memory_space<vmem>>, vector<1x16xf32>,
        %get3A_207 = vector.shape_cast %get3A_206 : vector<1x16xf32> to vector<16xf32>
        %add3A_208 = arith.addf %get3A_203, %get3A_207 : vector<16xf32>
        %swap3A_209 = arith.index_cast %scan3A_172 : i32 to index
        %swap3A_210 = arith.constant 32 : index
        %swap3A_211 = tpu.vector_load %arg10[%swap3A_209, %swap3A_210] {strides = array<i32>} : memref<200x64xf32, #tpu.memory_space<vmem>>, vector<1x16xf32>,
        %swap3A_212 = vector.shape_cast %swap3A_211 : vector<1x16xf32> to vector<16xf32>
        %swap3A_213 = vector.shape_cast %add3A_208 : vector<16xf32> to vector<1x16xf32>
        tpu.vector_store %arg10[%swap3A_209, %swap3A_210], %swap3A_213 {strides = array<i32>} : memref<200x64xf32, #tpu.memory_space<vmem>>, vector<1x16xf32>,
        %get3A_214 = arith.index_cast %scan3A_172 : i32 to index
        %get3A_215 = arith.constant 48 : index
        %get3A_216 = tpu.vector_load %arg8[%get3A_214, %get3A_215] {strides = array<i32>} : memref<200x64xf32, #tpu.memory_space<vmem>>, vector<1x16xf32>,
        %get3A_217 = vector.shape_cast %get3A_216 : vector<1x16xf32> to vector<16xf32>
        %get3A_218 = arith.index_cast %scan3A_172 : i32 to index
        %get3A_219 = arith.constant 48 : index
        %get3A_220 = tpu.vector_load %arg7[%get3A_218, %get3A_219] {strides = array<i32>} : memref<200x64xf32, #tpu.memory_space<vmem>>, vector<1x16xf32>,
        %get3A_221 = vector.shape_cast %get3A_220 : vector<1x16xf32> to vector<16xf32>
        %add3A_222 = arith.addf %get3A_217, %get3A_221 : vector<16xf32>
        %swap3A_223 = arith.index_cast %scan3A_172 : i32 to index
        %swap3A_224 = arith.constant 48 : index
        %swap3A_225 = tpu.vector_load %arg10[%swap3A_223, %swap3A_224] {strides = array<i32>} : memref<200x64xf32, #tpu.memory_space<vmem>>, vector<1x16xf32>,
        %swap3A_226 = vector.shape_cast %swap3A_225 : vector<1x16xf32> to vector<16xf32>
        %swap3A_227 = vector.shape_cast %add3A_222 : vector<16xf32> to vector<1x16xf32>
        tpu.vector_store %arg10[%swap3A_223, %swap3A_224], %swap3A_227 {strides = array<i32>} : memref<200x64xf32, #tpu.memory_space<vmem>>, vector<1x16xf32>,
        %scan3A_228 = arith.constant 0 : i32
        scf.yield %scan3A_228 : i32
      }
      %scan3A_105 = arith.constant 200 : i32
      %add3A_106 = arith.constant 2 : i32
      %add3A_107 = arith.addi %add3A_76, %add3A_106 : i32
      %lt3A = arith.constant 128 : i32
      %lt3A_108 = arith.cmpi slt, %add3A_107, %lt3A : i32
      %convert_element_type3A_109 = arith.extui %lt3A_108 : i1 to i32
      %cond3A_110 = arith.constant 0 : i32
      %cond3A_111 = arith.cmpi ne, %convert_element_type3A_109, %cond3A_110 : i32
      scf.if %cond3A_111 {
        %add3A_172 = arith.constant 2 : i32
        %add3A_173 = arith.addi %add3A_76, %add3A_172 : i32
        %dma_start3A_174 = arith.constant 0 : i32
        %dma_start3A_175 = arith.constant 0 : i32
        %dma_start3A_176 = arith.constant 0 : i32
        %dma_start3A_177 = tpu.memref_slice %arg8[%dma_start3A_175, %dma_start3A_176] : memref<200x64xf32, #tpu.memory_space<vmem>> -> memref<100x64xf32, #tpu.memory_space<vmem>>
        %dma_start3A_178 = arith.constant 0 : i32
        %dma_start3A_179 = tpu.memref_slice %arg6[%add3A_173, %dma_start3A_174, %dma_start3A_178] : memref<128x2x100xi32, #tpu.memory_space<vmem>> -> memref<1x1x100xi32, #tpu.memory_space<vmem>>
        %dma_start3A_180 = tpu.memref_squeeze %dma_start3A_179 : memref<1x1x100xi32, #tpu.memory_space<vmem>> -> memref<100xi32, #tpu.memory_space<vmem>>
        %dma_start3A_181 = arith.constant 0 : i32
        %dma_start3A_182 = arith.constant 0 : i32
        %dma_start3A_183 = tpu.memref_slice %arg3[%dma_start3A_181, %dma_start3A_182] : memref<1000000x64xf32, #tpu.memory_space<hbm>> -> memref<1000000x64xf32, #tpu.memory_space<hbm>>
        tpu.enqueue_indirect_dma source(%dma_start3A_183 : memref<1000000x64xf32, #tpu.memory_space<hbm>>) target(%dma_start3A_177 : memref<100x64xf32, #tpu.memory_space<vmem>>) offsets(%dma_start3A_180 : memref<100xi32, #tpu.memory_space<vmem>>) semaphore(%arg12 : memref<!tpu.dma_semaphore, #tpu.memory_space<semaphore_mem>>)
        %dma_start3A_184 = arith.constant 1 : i32
        %dma_start3A_185 = arith.constant 100 : i32
        %dma_start3A_186 = arith.constant 0 : i32
        %dma_start3A_187 = tpu.memref_slice %arg8[%dma_start3A_185, %dma_start3A_186] : memref<200x64xf32, #tpu.memory_space<vmem>> -> memref<100x64xf32, #tpu.memory_space<vmem>>
        %dma_start3A_188 = arith.constant 0 : i32
        %dma_start3A_189 = tpu.memref_slice %arg6[%add3A_173, %dma_start3A_184, %dma_start3A_188] : memref<128x2x100xi32, #tpu.memory_space<vmem>> -> memref<1x1x100xi32, #tpu.memory_space<vmem>>
        %dma_start3A_190 = tpu.memref_squeeze %dma_start3A_189 : memref<1x1x100xi32, #tpu.memory_space<vmem>> -> memref<100xi32, #tpu.memory_space<vmem>>
        %dma_start3A_191 = arith.constant 0 : i32
        %dma_start3A_192 = arith.constant 0 : i32
        %dma_start3A_193 = tpu.memref_slice %arg3[%dma_start3A_191, %dma_start3A_192] : memref<1000000x64xf32, #tpu.memory_space<hbm>> -> memref<1000000x64xf32, #tpu.memory_space<hbm>>
        tpu.enqueue_indirect_dma source(%dma_start3A_193 : memref<1000000x64xf32, #tpu.memory_space<hbm>>) target(%dma_start3A_187 : memref<100x64xf32, #tpu.memory_space<vmem>>) offsets(%dma_start3A_190 : memref<100xi32, #tpu.memory_space<vmem>>) semaphore(%arg12 : memref<!tpu.dma_semaphore, #tpu.memory_space<semaphore_mem>>)
      } else {
      }
      %add3A_112 = arith.addi %mul3A_2, %add3A_76 : i32
      %dma_start3A_113 = arith.constant 0 : i32
      %dma_start3A_114 = arith.constant 0 : i32
      %dma_start3A_115 = tpu.memref_slice %arg5[%add3A_112, %dma_start3A_113, %dma_start3A_114] : memref<4096x200x64xf32, #tpu.memory_space<hbm>> -> memref<1x200x64xf32, #tpu.memory_space<hbm>>
      %dma_start3A_116 = tpu.memref_squeeze %dma_start3A_115 : memref<1x200x64xf32, #tpu.memory_space<hbm>> -> memref<200x64xf32, #tpu.memory_space<hbm>>
      %dma_start3A_117 = arith.constant 0 : i32
      %dma_start3A_118 = arith.constant 0 : i32
      %dma_start3A_119 = tpu.memref_slice %arg5[%add3A_112, %dma_start3A_117, %dma_start3A_118] : memref<4096x200x64xf32, #tpu.memory_space<hbm>> -> memref<1x200x64xf32, #tpu.memory_space<hbm>>
      %dma_start3A_120 = tpu.memref_squeeze %dma_start3A_119 : memref<1x200x64xf32, #tpu.memory_space<hbm>> -> memref<200x64xf32, #tpu.memory_space<hbm>>
      tpu.enqueue_dma source(%arg10 : memref<200x64xf32, #tpu.memory_space<vmem>>) target(%dma_start3A_120 : memref<200x64xf32, #tpu.memory_space<hbm>>) target_semaphore(%arg14 : memref<!tpu.dma_semaphore, #tpu.memory_space<semaphore_mem>>)
      %add3A_121 = arith.constant 1 : i32
      %add3A_122 = arith.addi %mul3A_74, %add3A_121 : i32
      %ge3A_123 = arith.constant 2 : i32
      %ge3A_124 = arith.cmpi sge, %add3A_122, %ge3A_123 : i32
      %convert_element_type3A_125 = arith.extui %ge3A_124 : i1 to i32
      %cond3A_126 = arith.constant 0 : i32
      %cond3A_127 = arith.cmpi ne, %convert_element_type3A_125, %cond3A_126 : i32
      scf.if %cond3A_127 {
        %sub3A = arith.constant 2 : i32
        %sub3A_172 = arith.subi %add3A_122, %sub3A : i32
        %add3A_173 = arith.addi %mul3A_2, %sub3A_172 : i32
        %dma_wait3A_174 = arith.constant 0 : i32
        %dma_wait3A_175 = arith.constant 0 : i32
        %dma_wait3A_176 = tpu.memref_slice %arg5[%add3A_173, %dma_wait3A_174, %dma_wait3A_175] : memref<4096x200x64xf32, #tpu.memory_space<hbm>> -> memref<1x200x64xf32, #tpu.memory_space<hbm>>
        %dma_wait3A_177 = tpu.memref_squeeze %dma_wait3A_176 : memref<1x200x64xf32, #tpu.memory_space<hbm>> -> memref<200x64xf32, #tpu.memory_space<hbm>>
        %dma_wait3A_178 = arith.constant 0 : i32
        %dma_wait3A_179 = arith.constant 0 : i32
        %dma_wait3A_180 = tpu.memref_slice %arg5[%add3A_173, %dma_wait3A_178, %dma_wait3A_179] : memref<4096x200x64xf32, #tpu.memory_space<hbm>> -> memref<1x200x64xf32, #tpu.memory_space<hbm>>
        %dma_wait3A_181 = tpu.memref_squeeze %dma_wait3A_180 : memref<1x200x64xf32, #tpu.memory_space<hbm>> -> memref<200x64xf32, #tpu.memory_space<hbm>>
        tpu.wait_dma2 semaphore(%arg15 : memref<!tpu.dma_semaphore, #tpu.memory_space<semaphore_mem>>) src(%arg11 : memref<200x64xf32, #tpu.memory_space<vmem>>) dst(%dma_wait3A_181 : memref<200x64xf32, #tpu.memory_space<hbm>>)
      } else {
      }
      %dma_wait3A_128 = arith.constant 0 : i32
      %dma_wait3A_129 = arith.constant 0 : i32
      %dma_wait3A_130 = arith.constant 0 : i32
      %dma_wait3A_131 = tpu.memref_slice %arg9[%dma_wait3A_129, %dma_wait3A_130] : memref<200x64xf32, #tpu.memory_space<vmem>> -> memref<100x64xf32, #tpu.memory_space<vmem>>
      %dma_wait3A_132 = arith.constant 0 : i32
      %dma_wait3A_133 = tpu.memref_slice %arg6[%add3A_122, %dma_wait3A_128, %dma_wait3A_132] : memref<128x2x100xi32, #tpu.memory_space<vmem>> -> memref<1x1x100xi32, #tpu.memory_space<vmem>>
      %dma_wait3A_134 = tpu.memref_squeeze %dma_wait3A_133 : memref<1x1x100xi32, #tpu.memory_space<vmem>> -> memref<100xi32, #tpu.memory_space<vmem>>
      %dma_wait3A_135 = arith.constant 0 : i32
      %dma_wait3A_136 = arith.constant 0 : i32
      %dma_wait3A_137 = tpu.memref_slice %arg3[%dma_wait3A_135, %dma_wait3A_136] : memref<1000000x64xf32, #tpu.memory_space<hbm>> -> memref<1000000x64xf32, #tpu.memory_space<hbm>>
      tpu.wait_indirect_dma semaphore(%arg13 : memref<!tpu.dma_semaphore, #tpu.memory_space<semaphore_mem>>) src(%dma_wait3A_137 : memref<1000000x64xf32, #tpu.memory_space<hbm>>) dst(%dma_wait3A_131 : memref<100x64xf32, #tpu.memory_space<vmem>>)
      %dma_wait3A_138 = arith.constant 1 : i32
      %dma_wait3A_139 = arith.constant 100 : i32
      %dma_wait3A_140 = arith.constant 0 : i32
      %dma_wait3A_141 = tpu.memref_slice %arg9[%dma_wait3A_139, %dma_wait3A_140] : memref<200x64xf32, #tpu.memory_space<vmem>> -> memref<100x64xf32, #tpu.memory_space<vmem>>
      %dma_wait3A_142 = arith.constant 0 : i32
      %dma_wait3A_143 = tpu.memref_slice %arg6[%add3A_122, %dma_wait3A_138, %dma_wait3A_142] : memref<128x2x100xi32, #tpu.memory_space<vmem>> -> memref<1x1x100xi32, #tpu.memory_space<vmem>>
      %dma_wait3A_144 = tpu.memref_squeeze %dma_wait3A_143 : memref<1x1x100xi32, #tpu.memory_space<vmem>> -> memref<100xi32, #tpu.memory_space<vmem>>
      %dma_wait3A_145 = arith.constant 0 : i32
      %dma_wait3A_146 = arith.constant 0 : i32
      %dma_wait3A_147 = tpu.memref_slice %arg3[%dma_wait3A_145, %dma_wait3A_146] : memref<1000000x64xf32, #tpu.memory_space<hbm>> -> memref<1000000x64xf32, #tpu.memory_space<hbm>>
      tpu.wait_indirect_dma semaphore(%arg13 : memref<!tpu.dma_semaphore, #tpu.memory_space<semaphore_mem>>) src(%dma_wait3A_147 : memref<1000000x64xf32, #tpu.memory_space<hbm>>) dst(%dma_wait3A_141 : memref<100x64xf32, #tpu.memory_space<vmem>>)
      %scan3A_148 = arith.constant 0 : i32
      %scan3A_149 = arith.constant 0 : i32
      %scan3A_150 = arith.constant 200 : i32
      %scan3A_151 = arith.addi %scan3A_149, %scan3A_150 : i32
      %scan3A_152 = arith.constant 1 : i32
      %scan3A_153 = scf.for %scan3A_172 = %scan3A_149 to %scan3A_151 step %scan3A_152 iter_args(%scan3A_173 = %scan3A_148) -> (i32)  : i32 {
        %get3A = arith.index_cast %scan3A_172 : i32 to index
        %get3A_174 = arith.constant 0 : index
        %get3A_175 = tpu.vector_load %arg9[%get3A, %get3A_174] {strides = array<i32>} : memref<200x64xf32, #tpu.memory_space<vmem>>, vector<1x16xf32>,
        %get3A_176 = vector.shape_cast %get3A_175 : vector<1x16xf32> to vector<16xf32>
        %get3A_177 = arith.index_cast %scan3A_172 : i32 to index
        %get3A_178 = arith.constant 0 : index
        %get3A_179 = tpu.vector_load %arg7[%get3A_177, %get3A_178] {strides = array<i32>} : memref<200x64xf32, #tpu.memory_space<vmem>>, vector<1x16xf32>,
        %get3A_180 = vector.shape_cast %get3A_179 : vector<1x16xf32> to vector<16xf32>
        %add3A_181 = arith.addf %get3A_176, %get3A_180 : vector<16xf32>
        %swap3A = arith.index_cast %scan3A_172 : i32 to index
        %swap3A_182 = arith.constant 0 : index
        %swap3A_183 = tpu.vector_load %arg11[%swap3A, %swap3A_182] {strides = array<i32>} : memref<200x64xf32, #tpu.memory_space<vmem>>, vector<1x16xf32>,
        %swap3A_184 = vector.shape_cast %swap3A_183 : vector<1x16xf32> to vector<16xf32>
        %swap3A_185 = vector.shape_cast %add3A_181 : vector<16xf32> to vector<1x16xf32>
        tpu.vector_store %arg11[%swap3A, %swap3A_182], %swap3A_185 {strides = array<i32>} : memref<200x64xf32, #tpu.memory_space<vmem>>, vector<1x16xf32>,
        %get3A_186 = arith.index_cast %scan3A_172 : i32 to index
        %get3A_187 = arith.constant 16 : index
        %get3A_188 = tpu.vector_load %arg9[%get3A_186, %get3A_187] {strides = array<i32>} : memref<200x64xf32, #tpu.memory_space<vmem>>, vector<1x16xf32>,
        %get3A_189 = vector.shape_cast %get3A_188 : vector<1x16xf32> to vector<16xf32>
        %get3A_190 = arith.index_cast %scan3A_172 : i32 to index
        %get3A_191 = arith.constant 16 : index
        %get3A_192 = tpu.vector_load %arg7[%get3A_190, %get3A_191] {strides = array<i32>} : memref<200x64xf32, #tpu.memory_space<vmem>>, vector<1x16xf32>,
        %get3A_193 = vector.shape_cast %get3A_192 : vector<1x16xf32> to vector<16xf32>
        %add3A_194 = arith.addf %get3A_189, %get3A_193 : vector<16xf32>
        %swap3A_195 = arith.index_cast %scan3A_172 : i32 to index
        %swap3A_196 = arith.constant 16 : index
        %swap3A_197 = tpu.vector_load %arg11[%swap3A_195, %swap3A_196] {strides = array<i32>} : memref<200x64xf32, #tpu.memory_space<vmem>>, vector<1x16xf32>,
        %swap3A_198 = vector.shape_cast %swap3A_197 : vector<1x16xf32> to vector<16xf32>
        %swap3A_199 = vector.shape_cast %add3A_194 : vector<16xf32> to vector<1x16xf32>
        tpu.vector_store %arg11[%swap3A_195, %swap3A_196], %swap3A_199 {strides = array<i32>} : memref<200x64xf32, #tpu.memory_space<vmem>>, vector<1x16xf32>,
        %get3A_200 = arith.index_cast %scan3A_172 : i32 to index
        %get3A_201 = arith.constant 32 : index
        %get3A_202 = tpu.vector_load %arg9[%get3A_200, %get3A_201] {strides = array<i32>} : memref<200x64xf32, #tpu.memory_space<vmem>>, vector<1x16xf32>,
        %get3A_203 = vector.shape_cast %get3A_202 : vector<1x16xf32> to vector<16xf32>
        %get3A_204 = arith.index_cast %scan3A_172 : i32 to index
        %get3A_205 = arith.constant 32 : index
        %get3A_206 = tpu.vector_load %arg7[%get3A_204, %get3A_205] {strides = array<i32>} : memref<200x64xf32, #tpu.memory_space<vmem>>, vector<1x16xf32>,
        %get3A_207 = vector.shape_cast %get3A_206 : vector<1x16xf32> to vector<16xf32>
        %add3A_208 = arith.addf %get3A_203, %get3A_207 : vector<16xf32>
        %swap3A_209 = arith.index_cast %scan3A_172 : i32 to index
        %swap3A_210 = arith.constant 32 : index
        %swap3A_211 = tpu.vector_load %arg11[%swap3A_209, %swap3A_210] {strides = array<i32>} : memref<200x64xf32, #tpu.memory_space<vmem>>, vector<1x16xf32>,
        %swap3A_212 = vector.shape_cast %swap3A_211 : vector<1x16xf32> to vector<16xf32>
        %swap3A_213 = vector.shape_cast %add3A_208 : vector<16xf32> to vector<1x16xf32>
        tpu.vector_store %arg11[%swap3A_209, %swap3A_210], %swap3A_213 {strides = array<i32>} : memref<200x64xf32, #tpu.memory_space<vmem>>, vector<1x16xf32>,
        %get3A_214 = arith.index_cast %scan3A_172 : i32 to index
        %get3A_215 = arith.constant 48 : index
        %get3A_216 = tpu.vector_load %arg9[%get3A_214, %get3A_215] {strides = array<i32>} : memref<200x64xf32, #tpu.memory_space<vmem>>, vector<1x16xf32>,
        %get3A_217 = vector.shape_cast %get3A_216 : vector<1x16xf32> to vector<16xf32>
        %get3A_218 = arith.index_cast %scan3A_172 : i32 to index
        %get3A_219 = arith.constant 48 : index
        %get3A_220 = tpu.vector_load %arg7[%get3A_218, %get3A_219] {strides = array<i32>} : memref<200x64xf32, #tpu.memory_space<vmem>>, vector<1x16xf32>,
        %get3A_221 = vector.shape_cast %get3A_220 : vector<1x16xf32> to vector<16xf32>
        %add3A_222 = arith.addf %get3A_217, %get3A_221 : vector<16xf32>
        %swap3A_223 = arith.index_cast %scan3A_172 : i32 to index
        %swap3A_224 = arith.constant 48 : index
        %swap3A_225 = tpu.vector_load %arg11[%swap3A_223, %swap3A_224] {strides = array<i32>} : memref<200x64xf32, #tpu.memory_space<vmem>>, vector<1x16xf32>,
        %swap3A_226 = vector.shape_cast %swap3A_225 : vector<1x16xf32> to vector<16xf32>
        %swap3A_227 = vector.shape_cast %add3A_222 : vector<16xf32> to vector<1x16xf32>
        tpu.vector_store %arg11[%swap3A_223, %swap3A_224], %swap3A_227 {strides = array<i32>} : memref<200x64xf32, #tpu.memory_space<vmem>>, vector<1x16xf32>,
        %scan3A_228 = arith.constant 0 : i32
        scf.yield %scan3A_228 : i32
      }
      %scan3A_154 = arith.constant 200 : i32
      %add3A_155 = arith.constant 2 : i32
      %add3A_156 = arith.addi %add3A_122, %add3A_155 : i32
      %lt3A_157 = arith.constant 128 : i32
      %lt3A_158 = arith.cmpi slt, %add3A_156, %lt3A_157 : i32
      %convert_element_type3A_159 = arith.extui %lt3A_158 : i1 to i32
      %cond3A_160 = arith.constant 0 : i32
      %cond3A_161 = arith.cmpi ne, %convert_element_type3A_159, %cond3A_160 : i32
      scf.if %cond3A_161 {
        %add3A_172 = arith.constant 2 : i32
        %add3A_173 = arith.addi %add3A_122, %add3A_172 : i32
        %dma_start3A_174 = arith.constant 0 : i32
        %dma_start3A_175 = arith.constant 0 : i32
        %dma_start3A_176 = arith.constant 0 : i32
        %dma_start3A_177 = tpu.memref_slice %arg9[%dma_start3A_175, %dma_start3A_176] : memref<200x64xf32, #tpu.memory_space<vmem>> -> memref<100x64xf32, #tpu.memory_space<vmem>>
        %dma_start3A_178 = arith.constant 0 : i32
        %dma_start3A_179 = tpu.memref_slice %arg6[%add3A_173, %dma_start3A_174, %dma_start3A_178] : memref<128x2x100xi32, #tpu.memory_space<vmem>> -> memref<1x1x100xi32, #tpu.memory_space<vmem>>
        %dma_start3A_180 = tpu.memref_squeeze %dma_start3A_179 : memref<1x1x100xi32, #tpu.memory_space<vmem>> -> memref<100xi32, #tpu.memory_space<vmem>>
        %dma_start3A_181 = arith.constant 0 : i32
        %dma_start3A_182 = arith.constant 0 : i32
        %dma_start3A_183 = tpu.memref_slice %arg3[%dma_start3A_181, %dma_start3A_182] : memref<1000000x64xf32, #tpu.memory_space<hbm>> -> memref<1000000x64xf32, #tpu.memory_space<hbm>>
        tpu.enqueue_indirect_dma source(%dma_start3A_183 : memref<1000000x64xf32, #tpu.memory_space<hbm>>) target(%dma_start3A_177 : memref<100x64xf32, #tpu.memory_space<vmem>>) offsets(%dma_start3A_180 : memref<100xi32, #tpu.memory_space<vmem>>) semaphore(%arg13 : memref<!tpu.dma_semaphore, #tpu.memory_space<semaphore_mem>>)
        %dma_start3A_184 = arith.constant 1 : i32
        %dma_start3A_185 = arith.constant 100 : i32
        %dma_start3A_186 = arith.constant 0 : i32
        %dma_start3A_187 = tpu.memref_slice %arg9[%dma_start3A_185, %dma_start3A_186] : memref<200x64xf32, #tpu.memory_space<vmem>> -> memref<100x64xf32, #tpu.memory_space<vmem>>
        %dma_start3A_188 = arith.constant 0 : i32
        %dma_start3A_189 = tpu.memref_slice %arg6[%add3A_173, %dma_start3A_184, %dma_start3A_188] : memref<128x2x100xi32, #tpu.memory_space<vmem>> -> memref<1x1x100xi32, #tpu.memory_space<vmem>>
        %dma_start3A_190 = tpu.memref_squeeze %dma_start3A_189 : memref<1x1x100xi32, #tpu.memory_space<vmem>> -> memref<100xi32, #tpu.memory_space<vmem>>
        %dma_start3A_191 = arith.constant 0 : i32
        %dma_start3A_192 = arith.constant 0 : i32
        %dma_start3A_193 = tpu.memref_slice %arg3[%dma_start3A_191, %dma_start3A_192] : memref<1000000x64xf32, #tpu.memory_space<hbm>> -> memref<1000000x64xf32, #tpu.memory_space<hbm>>
        tpu.enqueue_indirect_dma source(%dma_start3A_193 : memref<1000000x64xf32, #tpu.memory_space<hbm>>) target(%dma_start3A_187 : memref<100x64xf32, #tpu.memory_space<vmem>>) offsets(%dma_start3A_190 : memref<100xi32, #tpu.memory_space<vmem>>) semaphore(%arg13 : memref<!tpu.dma_semaphore, #tpu.memory_space<semaphore_mem>>)
      } else {
      }
      %add3A_162 = arith.addi %mul3A_2, %add3A_122 : i32
      %dma_start3A_163 = arith.constant 0 : i32
      %dma_start3A_164 = arith.constant 0 : i32
      %dma_start3A_165 = tpu.memref_slice %arg5[%add3A_162, %dma_start3A_163, %dma_start3A_164] : memref<4096x200x64xf32, #tpu.memory_space<hbm>> -> memref<1x200x64xf32, #tpu.memory_space<hbm>>
      %dma_start3A_166 = tpu.memref_squeeze %dma_start3A_165 : memref<1x200x64xf32, #tpu.memory_space<hbm>> -> memref<200x64xf32, #tpu.memory_space<hbm>>
      %dma_start3A_167 = arith.constant 0 : i32
      %dma_start3A_168 = arith.constant 0 : i32
      %dma_start3A_169 = tpu.memref_slice %arg5[%add3A_162, %dma_start3A_167, %dma_start3A_168] : memref<4096x200x64xf32, #tpu.memory_space<hbm>> -> memref<1x200x64xf32, #tpu.memory_space<hbm>>
      %dma_start3A_170 = tpu.memref_squeeze %dma_start3A_169 : memref<1x200x64xf32, #tpu.memory_space<hbm>> -> memref<200x64xf32, #tpu.memory_space<hbm>>
      tpu.enqueue_dma source(%arg11 : memref<200x64xf32, #tpu.memory_space<vmem>>) target(%dma_start3A_170 : memref<200x64xf32, #tpu.memory_space<hbm>>) target_semaphore(%arg15 : memref<!tpu.dma_semaphore, #tpu.memory_space<semaphore_mem>>)
      %scan3A_171 = arith.constant 0 : i32
      scf.yield %scan3A_171 : i32
    }
    %scan3A_51 = arith.constant 64 : i32
    %add3A_52 = arith.constant 126 : i32
    %add3A_53 = arith.addi %mul3A_2, %add3A_52 : i32
    %dma_wait3A = arith.constant 0 : i32
    %dma_wait3A_54 = arith.constant 0 : i32
    %dma_wait3A_55 = tpu.memref_slice %arg5[%add3A_53, %dma_wait3A, %dma_wait3A_54] : memref<4096x200x64xf32, #tpu.memory_space<hbm>> -> memref<1x200x64xf32, #tpu.memory_space<hbm>>
    %dma_wait3A_56 = tpu.memref_squeeze %dma_wait3A_55 : memref<1x200x64xf32, #tpu.memory_space<hbm>> -> memref<200x64xf32, #tpu.memory_space<hbm>>
    %dma_wait3A_57 = arith.constant 0 : i32
    %dma_wait3A_58 = arith.constant 0 : i32
    %dma_wait3A_59 = tpu.memref_slice %arg5[%add3A_53, %dma_wait3A_57, %dma_wait3A_58] : memref<4096x200x64xf32, #tpu.memory_space<hbm>> -> memref<1x200x64xf32, #tpu.memory_space<hbm>>
    %dma_wait3A_60 = tpu.memref_squeeze %dma_wait3A_59 : memref<1x200x64xf32, #tpu.memory_space<hbm>> -> memref<200x64xf32, #tpu.memory_space<hbm>>
    tpu.wait_dma2 semaphore(%arg14 : memref<!tpu.dma_semaphore, #tpu.memory_space<semaphore_mem>>) src(%arg10 : memref<200x64xf32, #tpu.memory_space<vmem>>) dst(%dma_wait3A_60 : memref<200x64xf32, #tpu.memory_space<hbm>>)
    %add3A_61 = arith.constant 127 : i32
    %add3A_62 = arith.addi %mul3A_2, %add3A_61 : i32
    %dma_wait3A_63 = arith.constant 0 : i32
    %dma_wait3A_64 = arith.constant 0 : i32
    %dma_wait3A_65 = tpu.memref_slice %arg5[%add3A_62, %dma_wait3A_63, %dma_wait3A_64] : memref<4096x200x64xf32, #tpu.memory_space<hbm>> -> memref<1x200x64xf32, #tpu.memory_space<hbm>>
    %dma_wait3A_66 = tpu.memref_squeeze %dma_wait3A_65 : memref<1x200x64xf32, #tpu.memory_space<hbm>> -> memref<200x64xf32, #tpu.memory_space<hbm>>
    %dma_wait3A_67 = arith.constant 0 : i32
    %dma_wait3A_68 = arith.constant 0 : i32
    %dma_wait3A_69 = tpu.memref_slice %arg5[%add3A_62, %dma_wait3A_67, %dma_wait3A_68] : memref<4096x200x64xf32, #tpu.memory_space<hbm>> -> memref<1x200x64xf32, #tpu.memory_space<hbm>>
    %dma_wait3A_70 = tpu.memref_squeeze %dma_wait3A_69 : memref<1x200x64xf32, #tpu.memory_space<hbm>> -> memref<200x64xf32, #tpu.memory_space<hbm>>
    tpu.wait_dma2 semaphore(%arg15 : memref<!tpu.dma_semaphore, #tpu.memory_space<semaphore_mem>>) src(%arg11 : memref<200x64xf32, #tpu.memory_space<vmem>>) dst(%dma_wait3A_70 : memref<200x64xf32, #tpu.memory_space<hbm>>)
    return
  }
}

</mosaic_0001>

<sc_bundles>
// kernel: kernel.3.cloned.1.call-start
scs
__scs_entry_jumppad:
0x0: {  	(pc) =	sbr.rel $0x88, $3  }
0x1: {  	(tag) =	ssettag $0x0;
	lr =	simm.s32 $0x1  }
0x2: {  	[smem:$0x3F9E] =	sst lr;
	_ =	strace $0xD0000000  }
0x3: {  	_ = 	snop  }
0x4: {  	_ = 	snop  }
0x5: {  	_ = 	snop  }
0x6: {  	_ = 	snop  }
0x7: {  	_ = 	snop  }
__scs_overlays_trampoline_lowered:
0x8: {  	[smem:$0x3FAD] =	sst s0  }
0x9: {  	[smem:$0x3FAE] =	sst s1  }
0xa: {  	[smem:$0x3FAF] =	sst s2  }
0xb: {  	[smem:$0x3FB0] =	sst s3  }
0xc: {  	[smem:$0x3FB1] =	sst s4  }
0xd: {  	[smem:$0x3FB2] =	sst s5  }
0xe: {  	[smem:$0x3FB3] =	sst s6  }
0xf: {  	[smem:$0x3FB4] =	sst s7  }
0x10: {  	[smem:$0x3FB5] =	sst s8  }
0x11: {  	[smem:$0x3FB6] =	sst s9;
	s0 =	simm.s32 @!p0 $0x0  }
0x12: {  	s1 =	sld [smem:$0x3F9C];
	s0 =	simm.s32 @p0 $0x1  }
0x13: {  	[smem:$0x3FB7] =	sst s0;
	s0 =	simm.s32 @!p1 $0x0  }
0x14: {  	s2 =	sld [smem:$0x3F9B];
	s0 =	simm.s32 @p1 $0x1  }
0x15: {  	[smem:$0x3FB8] =	sst s0;
	s0 =	simm.s32 @!p2 $0x0  }
0x16: {  	s3 =	sld [smem:$0x3FDB];
	s0 =	simm.s32 @p2 $0x1  }
0x17: {  	s4 =	simm.s32 $0x1BF5;
	[smem:$0x3FBA] =	sst s0  }
0x18: {  	s0 =	sld [smem:$0x3F9D];
	_ =	swait.ge [sflag:s4], $0x0  }
0x19: {  	s7 =	sld [smem:$0x3F9E]  }
0x1a: {  	s8 =	sadd.s32 $0xFFFFE003, lr  }
0x1b: {  	s9 =	sadd.s32 $0xFFFFFEF7, lr;
	s5 =	simm.s32 $0xFFFFFFFF;
	p2 =	slt.u32 s8, $0xFFFFF086  }
0x1c: {  	p1 =	slt.u32 s9, $0xF7A;
	s5 =	simm.s32 @!p2 $0x0  }
0x1d: {  	s5 =	simm.s32 @p1 $0x1;
	p0 =	seq.s32 s7, s2  }
0x1e: {  	s7 =	smul.u32 @!p0 $0xF7A, s2;
	p2 =	seq.s32 @!p0 s5, $0x0  }
0x1f: {  	s9 =	smul.u32 $0xF7A, s1;
	s8 =	simm.s32 @!p0 $0x1BF5;
	p2 =	por !p2, p0  }
0x20: {  	[sflag:s8] =	ssyncset.s32 @!p0 $0xFFFFF086;
	s6 =	sadd.s32 @!p0 s3, s7;
	s7 =	simm.s32 @!p0 $0x108  }
0x21: {  	s3 =	sadd.s32 s3, s9;
	s6 =	sadd.s32 @!p0 $0x88, s6;
	s7 =	simm.s32 @p2 $0x1082  }
0x22: {  	[simem:s7], [sflag:s8] =	dma.local @!p0 [hbm:s6], $0xF7A  }
0x23: {  	s9 =	sor.u32 $0xD0000000, s2;
	s6 =	simm.s32 $0x108;
	_ =	swait.ge @!p0 [sflag:s8], $0x0  }
0x24: {  	s3 =	sadd.s32 $0x88, s3;
	s6 =	simm.s32 @!p1 $0x1082;
	[sflag:s4] =	ssyncset.s32 $0xFFFFF086  }
0x25: {  	[simem:s6], [sflag:s4] =	dma.local [hbm:s3], $0xF7A  }
0x26: {  	[smem:$0x3F9E] =	sst s1;
	(tag) =	ssettag s2;
	_ =	strace s9  }
0x27: {  	s1 =	sld [smem:$0x3FAE]  }
0x28: {  	s2 =	sld [smem:$0x3FAF]  }
0x29: {  	s4 =	sld [smem:$0x3FB1]  }
0x2a: {  	p0 =	seq.s32 s5, $0x0;
	s5 =	sld [smem:$0x3FB2]  }
0x2b: {  	s6 =	sld [smem:$0x3FB3]  }
0x2c: {  	s7 =	sld [smem:$0x3FB4]  }
0x2d: {  	s3 =	simm.s32 $0x108;
	s8 =	sld [smem:$0x3FB5]  }
0x2e: {  	s3 =	simm.s32 @!p0 $0x1082;
	s9 =	sld [smem:$0x3FB6]  }
0x2f: {  	lr =	sadd.s32 s0, s3;
	s0 =	sld [smem:$0x3FAD]  }
0x30: {  	s3 =	sld [smem:$0x3FB0]  }
0x31: {  	[smem:$0x3FB9] =	sst s10  }
0x32: {  	s10 =	sld [smem:$0x3FB7];
	_ =	sdelay $0x3  }
0x33: {  	p0 =	seq.s32 s10, $0x1;
	s10 =	sld [smem:$0x3FB9];
	_ =	sdelay $0x3  }
0x34: {  	[smem:$0x3FB9] =	sst s10  }
0x35: {  	s10 =	sld [smem:$0x3FB8];
	_ =	sdelay $0x3  }
0x36: {  	p1 =	seq.s32 s10, $0x1;
	s10 =	sld [smem:$0x3FB9];
	_ =	sdelay $0x3  }
0x37: {  	[smem:$0x3FB9] =	sst s10  }
0x38: {  	s10 =	sld [smem:$0x3FBA]  }
0x39: {  	_ = 	snop;
	(pc) =	sbr.ind lr, $3  }
0x3a: {  	_ = 	snop  }
0x3b: {  	_ = 	snop  }
0x3c: {  	p2 =	seq.s32 s10, $0x1;
	s10 =	sld [smem:$0x3FB9]  }
0x3d: {  	_ =	shalt  }
0x3e: {  	_ =	shalt  }
0x3f: {  	_ =	shalt  }
0x40: {  	_ =	shalt  }
0x41: {  	_ =	shalt  }
0x42: {  	_ =	shalt  }
0x43: {  	_ =	shalt  }
0x44: {  	_ =	shalt  }
0x45: {  	_ =	shalt  }
0x46: {  	_ =	shalt  }
0x47: {  	_ =	shalt  }
0x48: {  	_ =	shalt  }
0x49: {  	_ =	shalt  }
0x4a: {  	_ =	shalt  }
0x4b: {  	_ =	shalt  }
0x4c: {  	_ =	shalt  }
0x4d: {  	_ =	shalt  }
0x4e: {  	_ =	shalt  }
0x4f: {  	_ =	shalt  }
0x50: {  	_ =	shalt  }
0x51: {  	_ =	shalt  }
0x52: {  	_ =	shalt  }
0x53: {  	_ =	shalt  }
0x54: {  	_ =	shalt  }
0x55: {  	_ =	shalt  }
0x56: {  	_ =	shalt  }
0x57: {  	_ =	shalt  }
0x58: {  	_ =	shalt  }
0x59: {  	_ =	shalt  }
0x5a: {  	_ =	shalt  }
0x5b: {  	_ =	shalt  }
0x5c: {  	_ =	shalt  }
0x5d: {  	_ =	shalt  }
0x5e: {  	_ =	shalt  }
0x5f: {  	_ =	shalt  }
0x60: {  	_ =	shalt  }
0x61: {  	_ =	shalt  }
0x62: {  	_ =	shalt  }
0x63: {  	_ =	shalt  }
0x64: {  	_ =	shalt  }
0x65: {  	_ =	shalt  }
0x66: {  	_ =	shalt  }
0x67: {  	_ =	shalt  }
0x68: {  	_ =	shalt  }
0x69: {  	_ =	shalt  }
0x6a: {  	_ =	shalt  }
0x6b: {  	_ =	shalt  }
0x6c: {  	_ =	shalt  }
0x6d: {  	_ =	shalt  }
0x6e: {  	_ =	shalt  }
0x6f: {  	_ =	shalt  }
0x70: {  	_ =	shalt  }
0x71: {  	_ =	shalt  }
0x72: {  	_ =	shalt  }
0x73: {  	_ =	shalt  }
0x74: {  	_ =	shalt  }
0x75: {  	_ =	shalt  }
0x76: {  	_ =	shalt  }
0x77: {  	_ =	shalt  }
0x78: {  	_ =	shalt  }
0x79: {  	_ =	shalt  }
0x7a: {  	_ =	shalt  }
0x7b: {  	_ =	shalt  }
0x7c: {  	_ =	shalt  }
0x7d: {  	_ =	shalt  }
0x7e: {  	_ =	shalt  }
0x7f: {  	_ =	shalt  }
0x80: {  	_ =	shalt  }
0x81: {  	_ =	shalt  }
0x82: {  	_ =	shalt  }
0x83: {  	_ =	shalt  }
0x84: {  	_ =	shalt  }
0x85: {  	_ =	shalt  }
0x86: {  	_ =	shalt  }
0x87: {  	_ =	shalt  }
.Lfunc_end0:
.L_simem_size_0:
called_computation.1_lowered:
.L_overlay_start_0:
0x88: {  	s2 =	sld [smem:$0x3FD9]  }
0x89: {  	s3 =	sld [smem:$0x3FFE];
	_ =	sdelay $0x1  }
0x8a: {  	s1 =	srdreg.scid  }
0x8b: {  	s0 =	sand.u32 $0x1, s1  }
0x8c: {  	s17 =	sshll.u32 s0, $0xA;
	s2 =	sadd.s32 s3, s2  }
0x8d: {  	s2 =	sadd.s32 s2, s17  }
0x8e: {  	[smem:$0x3FC5] =	sst s2  }
0x8f: {  	_ = 	snop  }
0x90: {  	s2 =	sld [smem:$0x3FD0];
	(tm) =	ssettm $0x1  }
0x91: {  	s18 =	sld [smem:$0x3FFB];
	_ =	sdelay $0x3  }
0x92: {  	_ =	strace s18  }
0x93: {  	s3 =	sld [smem:$0x3FFC];
	_ =	sdelay $0x3  }
0x94: {  	_ =	strace s3  }
0x95: {  	s3 =	sld [smem:$0x3FFD];
	_ =	sdelay $0x3  }
0x96: {  	_ =	strace s3  }
0x97: {  	_ =	strace $0x8FFFFFFF  }
0x98: {  	s19 =	sld [smem:$0x3FDB];
	_ =	sdelay $0x1  }
0x99: {  	s4 =	simm.s32 $_scs_section_size  }
0x9a: {  	s5 =	simm.s32 $_size__tile_overlayer_lowered;
	s6 =	simm.s32 $_tile_overlayer_lowered  }
0x9b: {  	s22 =	simm.s32 $0x1BFF;
	s21 =	sshll.u32 s6, $0x1;
	s3 =	sadd.s32 s4, s19  }
0x9c: {  	s7 =	simm.s32 $0x0;
	s20 =	sshll.u32 s5, $0x1;
	s5 =	sadd.s32 s21, s3  }
0x9d: {  	[timem:s7], [sflag:s22] =	dma.local [hbm:s5], s20  }
0x9e: {  	_ =	swait.ge [sflag:s22], s20  }
0x9f: {  	s4 =	ssub.s32 $0x0, s20;
	[sflag:s22] =	ssyncset.done $0x0  }
0xa0: {  	[sflag:s22] =	ssyncadd.s32 s4;
	_ =	sdelay $0x1  }
0xa1: {  	s23 =	simm.s32 $0x1B8B  }
0xa2: {  	_ =	swait.ge [sflag:s23], $0x1  }
0xa3: {  	[sflag:s23] =	ssyncset.done $0x0  }
0xa4: {  	s25 =	simm.s32 $0x1B8E;
	s24 =	sld [smem:$0x3FFE];
	[sflag:s23] =	ssyncadd.s32 $0xFFFFFFFF  }
0xa5: {  	s26 =	simm.s32 $execute0_lowered;
	[smem:$0x3FD2] =	sst s25  }
0xa6: {  	s5 =	sshll.u32 s26, $0x1;
	_ =	strace $0x80000046;
	[dreg:$0x1] =	wrdreg $0xFFFFFFFF  }
0xa7: {  	s28 =	simm.s32 $_size_execute0_lowered;
	s3 =	sadd.s32 s3, s5;
	[dreg:$0x0] =	wrdreg $0x0  }
0xa8: {  	s5 =	sshll.u32 s28, $0x1;
	[dreg:$0x2] =	wrdreg s3  }
0xa9: {  	[dreg:$0x3] =	wrdreg s5  }
0xaa: {  	[dreg:$0x4] =	wrdreg $0xC0  }
0xab: {  	_ =	task [dreg:s7], $0x5FFFF  }
0xac: {  	[dreg:$0x1] =	wrdreg $0xFFFFFFFF  }
0xad: {  	[dreg:$0x0] =	wrdreg $0x60  }
0xae: {  	[dreg:$0x2] =	wrdreg s24  }
0xaf: {  	[dreg:$0x3] =	wrdreg s2  }
0xb0: {  	[dreg:$0x4] =	wrdreg $0x9  }
0xb1: {  	_ =	task.clear_ibuf [dreg:s7], $0x5FFFF;
	_ =	strace $0x90000046  }
0xb2: {  	s29 =	simm.s32 $0x9;
	_ =	strace $0x80000048  }
0xb3: {  	_ =	swait.ge [sflag:s29], $0x1  }
0xb4: {  	[sflag:s29] =	ssyncadd.s32 $0xFFFFFFFF  }
0xb5: {  	_ =	strace $0x90000048  }
0xb6: {  	_ =	sfence  }
0xb7: {  	s30 =	sld [smem:$0x0];
	_ =	sdelay $0x2  }
0xb8: {  	s31 =	sshll.u32 s1, $0xD;
	s1 =	sshrl.u32 s1, $0x2  }
0xb9: {  	s3 =	sand.u32 $0x4000, s31;
	s1 =	sadd.s32 s1, s30  }
0xba: {  	s0 =	sor.u32 s3, s0;
	s1 =	sshll.u32 s1, $0x11  }
0xbb: {  	s0 =	sor.u32 s1, s0  }
0xbc: {  	s0 =	sadd.s32 $0x8F2B, s0  }
0xbd: {  	[sflag:s0] =	ssyncadd.remote.s32 $0x1  }
0xbe: {  	_ =	sfence.sel $0xFFFF  }
0xbf: {  	[dreg:$0x0] =	wrdreg $0xFFFFFFFF;
	(pc) =	sbr.abs _section_cstart, $3  }
0xc0: {  	[dreg:$0x1] =	wrdreg $0xFFFFFFFF  }
0xc1: {  	_ =	task.clear_ibuf [dreg:s7], $0x2FFFF;
	_ =	strace $0x9FFFFFFF  }
0xc2: {  	(tm) =	ssettm $0x7FFFFFFF  }
0xc3: {  	_ =	shalt  }
tec
execute0_lowered:
.L_overlay_start_1:
0x0: {  	(tag) =	ssettag $0x1  }
0x1: {  	s1 =	srdreg.scid;
	s6 =	rddreg [dreg:$0x0]  }
0x2: {  	s0 =	stileid.u32;
	s2 =	rddreg [dreg:$0x1]  }
0x3: {  	s3 =	simm.s32 $0x0;
	s9 =	simm.s32 $0x5;
	s10 =	simm.s32 $0x6800  }
0x4: {  	s11 =	simm.s32 $0x64;
	s12 =	simm.s32 $0x9A00;
	s13 =	simm.s32 $0x68  }
0x5: {  	s14 =	simm.s32 $0xB300;
	s15 =	simm.s32 $0xD0;
	s16 =	simm.s32 $0xCC00  }
0x6: {  	s17 =	simm.s32 $0x138;
	s18 =	simm.s32 $0xE500;
	s19 =	simm.s32 $0x1  }
0x7: {  	s20 =	simm.s32 $0xFE00;
	s21 =	simm.s32 $0x2;
	s1 =	sand.u32 $0x1, s1  }
0x8: {  	s22 =	simm.s32 $0x13000;
	s4 =	sshll.u32 s0, $0x8;
	s5 =	sshll.u32 s1, $0x7  }
0x9: {  	s23 =	simm.s32 $0x3;
	s1 =	ssub.s32 $0x2, s1;
	s4 =	sor.u32 s5, s4  }
0xa: {  	s24 =	simm.s32 $0x4;
	s8 =	sshrl.u32 s1, $0x1;
	s5 =	smul.u32 $0x1A, s4  }
0xb: {  	s25 =	simm.s32 $0x0;
	[smem:$0x7FF] =	sst s3;
	s1 =	ssub.s32 s1, s8  }
0xc: {  	_ =	strace $0x80000047;
	s8 =	smax.u32 s1, $0x1;
	s7 =	sadd.s32 s5, s6  }
0xd: {  	s5 =	sadd.s32 $0xF43000, s6;
	s6 =	sadd.s32 $0x1AC00, s6;
	s7 =	sadd.s32 $0xC00, s7  }
.LBB2_1:
0xe: {  	[tilespmem:s3], [sflag:$0x5] =	stream.linear.gather [hbm4b:s7+s3], $0x6800, $0x38;
	[tilespmem:$0x16200] =	vst v63  }
0xf: {  	_ =	swait.ge [sflag:s9], $0x6800  }
0x10: {  	[sflag:s9] =	ssyncset.done $0x0  }
0x11: {  	[sflag:s9] =	ssyncadd.s32 $0xFFFF9800  }
0x12: {  	[tilespmem:s10], [sflag:$0x5] =	stream.linear.gather [hbm4b:s6+s3], $0x3200, $0x38;
	[tilespmem:$0x16200] =	vst v63  }
0x13: {  	_ =	swait.ge [sflag:s9], $0x3200  }
0x14: {  	[sflag:s9] =	ssyncset.done $0x0  }
0x15: {  	[sflag:s9] =	ssyncadd.s32 $0xFFFFCE00  }
0x16: {  	[tilespmem:s12], [sflag:$0x1] =	stream.indirect.gather [hbm4b:s5+s11], $0x40, s3, s11, $0xb8;
	[tilespmem:$0x16200] =	vst v63  }
0x17: {  	_ = 	snop  }
0x18: {  	[tilespmem:s14], [sflag:$0x1] =	stream.indirect.gather [hbm4b:s5+s11], $0x40, s13, s11, $0xb8;
	[tilespmem:$0x16200] =	vst v63  }
0x19: {  	_ = 	snop  }
0x1a: {  	[tilespmem:s16], [sflag:$0x2] =	stream.indirect.gather [hbm4b:s5+s11], $0x40, s15, s11, $0xb8;
	[tilespmem:$0x16200] =	vst v63  }
0x1b: {  	s26 =	simm.s32 $0x0  }
0x1c: {  	[tilespmem:s18], [sflag:$0x2] =	stream.indirect.gather [hbm4b:s5+s11], $0x40, s17, s11, $0xb8;
	[tilespmem:$0x16200] =	vst v63  }
.LBB2_2:
0x1d: {  	p1 =	seq.s32 s26, $0x0  }
0x1e: {  	s1 =	simm.s32 @!p1 $0x3  }
0x1f: {  	_ =	swait.ge @!p1 [sflag:s1], $0x3200  }
0x20: {  	[sflag:s1] =	ssyncset.done @!p1 $0x0  }
0x21: {  	[sflag:s1] =	ssyncadd.s32 @!p1 $0xFFFFCE00  }
0x22: {  	_ =	swait.ge [sflag:s19], $0x1900  }
0x23: {  	[sflag:s19] =	ssyncset.done $0x0  }
0x24: {  	[sflag:s19] =	ssyncadd.s32 $0xFFFFE700  }
0x25: {  	_ =	swait.ge [sflag:s19], $0x1900  }
0x26: {  	[sflag:s19] =	ssyncset.done $0x0  }
0x27: {  	s28 =	simm.s32 $0x0;
	[sflag:s19] =	ssyncadd.s32 $0xFFFFE700  }
0x28: {  	v2 =	vld [tilespmem:s28+$0x9A30]  }
0x29: {  	v4 =	vld [tilespmem:s28+$0x6830]  }
0x2a: {  	v5 =	vld [tilespmem:s28+$0x9A00]  }
0x2b: {  	v6 =	vld [tilespmem:s28+$0x6800]  }
0x2c: {  	v1 =	vld [tilespmem:s28+$0x9A10]  }
0x2d: {  	v3 =	vld [tilespmem:s28+$0x6810]  }
0x2e: {  	v0 =	vld [tilespmem:s28+$0x9A20];
	v7 =	vadd.f32 v4, v2  }
0x2f: {  	s30 =	simm.s32 $0x40;
	v4 =	vld [tilespmem:s28+$0x6820]  }
0x30: {  	s29 =	sshll.u32 s26, $0x1;
	s31 =	simm.s32 $0x200;
	v2 =	vld [tilespmem:s30+$0x9A30];
	v5 =	vadd.f32 v6, v5;
	[tilespmem:s28+$0xFE30] =	vst v7  }
.LBB2_3:
0x31: {  	p0 =	sne.s32 s31, $0xC700;
	v6 =	vld [tilespmem:s30+$0x6830]  }
0x32: {  	v7 =	vld [tilespmem:s30+$0x9A00];
	[tilespmem:s28+$0xFE00] =	vst v5;
	v3 =	vadd.f32 v3, v1  }
0x33: {  	v5 =	vld [tilespmem:s30+$0x6800]  }
.Ltmp0:
0x34: {  	v1 =	vld [tilespmem:s30+$0x9A10];
	[tilespmem:s28+$0xFE10] =	vst v3;
	v4 =	vadd.f32 v4, v0;
	(pc) =	sbr.rel @p0 .LBB2_3-.Ltmp0, $4  }
0x35: {  	v3 =	vld [tilespmem:s30+$0x6810]  }
0x36: {  	v0 =	vld [tilespmem:s30+$0x9A20];
	v6 =	vadd.f32 v6, v2;
	[tilespmem:s28+$0xFE20] =	vst v4;
	s28 =	smov.u32 s30  }
0x37: {  	s30 =	sshra.s32 s31, $0x2;
	v4 =	vld [tilespmem:s28+$0x6820]  }
0x38: {  	s31 =	sadd.s32 $0x100, s31;
	v2 =	vld [tilespmem:s30+$0x9A30];
	v5 =	vadd.f32 v5, v7;
	[tilespmem:s28+$0xFE30] =	vst v6  }
0x39: {  	v6 =	vld [tilespmem:s30+$0x6830]  }
0x3a: {  	v7 =	vld [tilespmem:s30+$0x9A00];
	[tilespmem:s28+$0xFE00] =	vst v5;
	v1 =	vadd.f32 v3, v1  }
0x3b: {  	v3 =	vld [tilespmem:s30+$0x6800]  }
0x3c: {  	v5 =	vld [tilespmem:s30+$0x9A10];
	[tilespmem:s28+$0xFE10] =	vst v1;
	v0 =	vadd.f32 v4, v0  }
0x3d: {  	v1 =	vld [tilespmem:s30+$0x6810]  }
0x3e: {  	v4 =	vld [tilespmem:s30+$0x9A20];
	[tilespmem:s28+$0xFE20] =	vst v0  }
0x3f: {  	v0 =	vld [tilespmem:s30+$0x6820];
	_ =	sdelay $0x1  }
0x40: {  	v2 =	vadd.f32 v6, v2  }
0x41: {  	p0 =	seq.s32 s26, $0x3F;
	v3 =	vadd.f32 v3, v7  }
0x42: {  	s1 =	smul.u32 @!p0 $0x680, s26;
	[tilespmem:s30+$0xFE30] =	vst v2;
	v1 =	vadd.f32 v1, v5  }
0x43: {  	[tilespmem:s30+$0xFE00] =	vst v3;
	v0 =	vadd.f32 v0, v4  }
0x44: {  	s28 =	sshra.s32 @!p0 s1, $0x2;
	[tilespmem:s30+$0xFE10] =	vst v1  }
0x45: {  	s31 =	simm.s32 @!p0 $0x9A00;
	s1 =	sadd.s32 @!p0 $0x1A0, s28;
	[tilespmem:s30+$0xFE20] =	vst v0;
	s30 =	simm.s32 @!p0 $0x64  }
0x46: {  	[tilespmem:s31], [sflag:$0x1] =	stream.indirect.gather @!p0 [hbm4b:s5+s30], $0x40, s1, s30, $0xb8;
	[tilespmem:$0x16200] =	vst v63  }
0x47: {  	s1 =	sadd.s32 s4, s29  }
0x48: {  	s0 =	simm.s32 @!p0 $0xB300;
	s31 =	sadd.s32 @!p0 $0x208, s28;
	s1 =	smul.u32 $0x640, s1  }
0x49: {  	[tilespmem:s0], [sflag:$0x1] =	stream.indirect.gather @!p0 [hbm4b:s5+s30], $0x40, s31, s30, $0xb8;
	[tilespmem:$0x16200] =	vst v63  }
0x4a: {  	s0 =	simm.s32 @!p1 $0x4;
	s1 =	sadd.s32 s2, s1  }
0x4b: {  	[hbm4b:s1+s3] =	stream.linear.scatter [tilespmem:s20], [sflag:$0x3], $0x3200, $0x38;
	[tilespmem:$0x16200] =	vst v63  }
0x4c: {  	_ =	swait.ge @!p1 [sflag:s0], $0x3200  }
0x4d: {  	[sflag:s0] =	ssyncset.done @!p1 $0x0  }
0x4e: {  	[sflag:s0] =	ssyncadd.s32 @!p1 $0xFFFFCE00  }
0x4f: {  	_ =	swait.ge [sflag:s21], $0x1900  }
0x50: {  	[sflag:s21] =	ssyncset.done $0x0  }
0x51: {  	[sflag:s21] =	ssyncadd.s32 $0xFFFFE700  }
0x52: {  	_ =	swait.ge [sflag:s21], $0x1900  }
0x53: {  	[sflag:s21] =	ssyncset.done $0x0  }
0x54: {  	s30 =	simm.s32 $0x0;
	[sflag:s21] =	ssyncadd.s32 $0xFFFFE700  }
0x55: {  	v2 =	vld [tilespmem:s30+$0xCC30]  }
0x56: {  	v4 =	vld [tilespmem:s30+$0x6830]  }
0x57: {  	v5 =	vld [tilespmem:s30+$0xCC00]  }
0x58: {  	v6 =	vld [tilespmem:s30+$0x6800]  }
0x59: {  	v1 =	vld [tilespmem:s30+$0xCC10]  }
0x5a: {  	v3 =	vld [tilespmem:s30+$0x6810]  }
0x5b: {  	v0 =	vld [tilespmem:s30+$0xCC20];
	v7 =	vadd.f32 v4, v2  }
0x5c: {  	s31 =	simm.s32 $0x40;
	v4 =	vld [tilespmem:s30+$0x6820]  }
0x5d: {  	s29 =	sor.u32 $0x1, s29;
	s1 =	simm.s32 $0x200;
	v2 =	vld [tilespmem:s31+$0xCC30];
	v5 =	vadd.f32 v6, v5;
	[tilespmem:s30+$0x13030] =	vst v7  }
.LBB2_5:
0x5e: {  	p1 =	sne.s32 s1, $0xC700;
	v6 =	vld [tilespmem:s31+$0x6830]  }
0x5f: {  	v7 =	vld [tilespmem:s31+$0xCC00];
	[tilespmem:s30+$0x13000] =	vst v5;
	v3 =	vadd.f32 v3, v1  }
0x60: {  	v5 =	vld [tilespmem:s31+$0x6800]  }
.Ltmp1:
0x61: {  	v1 =	vld [tilespmem:s31+$0xCC10];
	[tilespmem:s30+$0x13010] =	vst v3;
	v4 =	vadd.f32 v4, v0;
	(pc) =	sbr.rel @p1 .LBB2_5-.Ltmp1, $4  }
0x62: {  	v3 =	vld [tilespmem:s31+$0x6810]  }
0x63: {  	v0 =	vld [tilespmem:s31+$0xCC20];
	v6 =	vadd.f32 v6, v2;
	[tilespmem:s30+$0x13020] =	vst v4;
	s30 =	smov.u32 s31  }
0x64: {  	s31 =	sshra.s32 s1, $0x2;
	v4 =	vld [tilespmem:s30+$0x6820]  }
0x65: {  	s1 =	sadd.s32 $0x100, s1;
	v2 =	vld [tilespmem:s31+$0xCC30];
	v5 =	vadd.f32 v5, v7;
	[tilespmem:s30+$0x13030] =	vst v6  }
0x66: {  	v6 =	vld [tilespmem:s31+$0x6830]  }
0x67: {  	v7 =	vld [tilespmem:s31+$0xCC00];
	[tilespmem:s30+$0x13000] =	vst v5;
	v1 =	vadd.f32 v3, v1  }
0x68: {  	v62 =	vld [tilespmem:s31+$0x6800]  }
0x69: {  	v5 =	vld [tilespmem:s31+$0xCC10];
	[tilespmem:s30+$0x13010] =	vst v1;
	v0 =	vadd.f32 v4, v0  }
0x6a: {  	v1 =	vld [tilespmem:s31+$0x6810]  }
0x6b: {  	v63 =	vld [tilespmem:s31+$0xCC20];
	[tilespmem:s30+$0x13020] =	vst v0  }
0x6c: {  	v0 =	vld [tilespmem:s31+$0x6820];
	_ =	sdelay $0x1  }
0x6d: {  	v2 =	vadd.f32 v6, v2  }
0x6e: {  	v3 =	vadd.f32 v62, v7  }
0x6f: {  	[tilespmem:s31+$0x13030] =	vst v2;
	v1 =	vadd.f32 v1, v5  }
0x70: {  	[tilespmem:s31+$0x13000] =	vst v3;
	v0 =	vadd.f32 v0, v63  }
0x71: {  	s0 =	sadd.s32 @!p0 $0x270, s28;
	[tilespmem:s31+$0x13010] =	vst v1  }
0x72: {  	s1 =	simm.s32 @!p0 $0x64;
	s28 =	sadd.s32 @!p0 $0x2D8, s28;
	s30 =	simm.s32 @!p0 $0xCC00;
	[tilespmem:s31+$0x13020] =	vst v0  }
0x73: {  	[tilespmem:s30], [sflag:$0x2] =	stream.indirect.gather @!p0 [hbm4b:s5+s1], $0x40, s0, s1, $0xb8;
	[tilespmem:$0x16200] =	vst v63  }
0x74: {  	s26 =	sadd.s32 $0x1, s26;
	s31 =	sadd.s32 s4, s29;
	s29 =	simm.s32 @!p0 $0xE500  }
0x75: {  	[tilespmem:s29], [sflag:$0x2] =	stream.indirect.gather @!p0 [hbm4b:s5+s1], $0x40, s28, s1, $0xb8;
	[tilespmem:$0x16200] =	vst v63  }
0x76: {  	p0 =	sne.s32 s26, $0x40  }
.Ltmp2:
0x77: {  	_ = 	snop;
	(pc) =	sbr.rel @p0 .LBB2_2-.Ltmp2, $3  }
0x78: {  	s0 =	smul.u32 $0x640, s31;
	_ =	sdelay $0x1  }
0x79: {  	s0 =	sadd.s32 s2, s0  }
0x7a: {  	[hbm4b:s0+s3] =	stream.linear.scatter [tilespmem:s22], [sflag:$0x4], $0x3200, $0x38;
	[tilespmem:$0x16200] =	vst v63  }
0x7b: {  	s25 =	sadd.s32 $0x1, s25  }
0x7c: {  	_ =	swait.ge [sflag:s23], $0x3200;
	p0 =	sne.s32 s25, s8  }
.Ltmp3:
0x7d: {  	[sflag:s23] =	ssyncset.done $0x0;
	(pc) =	sbr.rel @p0 .LBB2_1-.Ltmp3, $4  }
0x7e: {  	[sflag:s23] =	ssyncadd.s32 $0xFFFFCE00  }
0x7f: {  	_ =	swait.ge [sflag:s24], $0x3200  }
0x80: {  	[sflag:s24] =	ssyncset.done $0x0  }
0x81: {  	[sflag:s24] =	ssyncadd.s32 $0xFFFFCE00  }
0x82: {  	_ =	sfence.sel $0x180000  }
0x83: {  	[bflag:$0x0] =	sbarrier.arrive $0xFFFF  }
0x84: {  	_ =	strace $0x90000047  }
0x85: {  	s0 =	stileid.u32;
	[bflag:$0x2] =	sbarrier.arrive $0xFFFF  }
0x86: {  	p0 =	sne.s32 s0, $0x0;
	s0 =	rddreg [dreg:$0x2]  }
0x87: {  	s0 =	sadd.s32 @!p0 $0x100000, s0  }
0x88: {  	[sflag:s0] =	ssyncadd.tile.s32 @!p0 $0x1;
	_ =	shalt  }
.Lfunc_end2:
_tile_overlayer_lowered:
.L_overlay_start_2:
0x89: {  	(tag) =	ssettag $0x2  }
0x8a: {  	s0 =	rddreg [dreg:$0x0];
	s2 =	stileid.u32  }
0x8b: {  	s1 =	rddreg [dreg:$0x1];
	p0 =	sne.s32 s2, $0x0  }
0x8c: {  	s3 =	rddreg [dreg:$0x2];
	[bflag:$0x3] =	sbarrier.arrive $0xFFFF;
	s2 =	simm.s32 @!p0 $0x1C05  }
0x8d: {  	[timem:s3], [sflag:s2] =	dma.local @!p0 [hbm:s0], s1  }
0x8e: {  	s0 =	simm.s32 @!p0 $0x5  }
0x8f: {  	_ =	swait.ge @!p0 [sflag:s0], s1  }
0x90: {  	s1 =	ssub.s32 @!p0 $0x0, s1;
	[sflag:s0] =	ssyncset.done @!p0 $0x0  }
0x91: {  	[sflag:s0] =	ssyncadd.s32 @!p0 s1  }
0x92: {  	[bflag:$0x3] =	sbarrier.arrive $0xFFFF  }
0x93: {  	_ =	shalt  }

// kernel: sparse-core-data-format-call.cloned.1.call-start
scs
called_computation_lowered:
.L_overlay_start_0:
0x0: {  	s2 =	sld [smem:$0x3FD9]  }
0x1: {  	s3 =	sld [smem:$0x3FFE];
	_ =	sdelay $0x1  }
0x2: {  	s1 =	srdreg.scid  }
0x3: {  	s0 =	sand.u32 $0x1, s1  }
0x4: {  	s18 =	sshll.u32 s0, $0xA;
	s2 =	sadd.s32 s3, s2  }
0x5: {  	s2 =	sadd.s32 s2, s18  }
0x6: {  	[smem:$0x3FC5] =	sst s2  }
0x7: {  	_ = 	snop  }
0x8: {  	s2 =	sld [smem:$0x3FD0];
	(tm) =	ssettm $0x1  }
0x9: {  	s19 =	sld [smem:$0x3FFB];
	_ =	sdelay $0x3  }
0xa: {  	_ =	strace s19  }
0xb: {  	s3 =	sld [smem:$0x3FFC];
	_ =	sdelay $0x3  }
0xc: {  	_ =	strace s3  }
0xd: {  	s3 =	sld [smem:$0x3FFD];
	_ =	sdelay $0x3  }
0xe: {  	_ =	strace s3  }
0xf: {  	_ =	strace $0x8FFFFFFF  }
0x10: {  	s20 =	sld [smem:$0x3FDB];
	_ =	sdelay $0x1  }
0x11: {  	s4 =	simm.s32 $_scs_section_size  }
0x12: {  	s5 =	simm.s32 $_size__tile_overlayer_lowered;
	s6 =	simm.s32 $_tile_overlayer_lowered  }
0x13: {  	s23 =	simm.s32 $0x1BFF;
	s22 =	sshll.u32 s6, $0x1;
	s3 =	sadd.s32 s4, s20  }
0x14: {  	s7 =	simm.s32 $0x0;
	s21 =	sshll.u32 s5, $0x1;
	s5 =	sadd.s32 s22, s3  }
0x15: {  	[timem:s7], [sflag:s23] =	dma.local [hbm:s5], s21  }
0x16: {  	_ =	swait.ge [sflag:s23], s21  }
0x17: {  	s4 =	ssub.s32 $0x0, s21;
	[sflag:s23] =	ssyncset.done $0x0  }
0x18: {  	[sflag:s23] =	ssyncadd.s32 s4;
	_ =	sdelay $0x1  }
0x19: {  	s24 =	simm.s32 $0x1B8B  }
0x1a: {  	_ =	swait.ge [sflag:s24], $0x1  }
0x1b: {  	[sflag:s24] =	ssyncset.done $0x0  }
0x1c: {  	s26 =	simm.s32 $0x1B8E;
	s25 =	sld [smem:$0x3FFE];
	[sflag:s24] =	ssyncadd.s32 $0xFFFFFFFF  }
0x1d: {  	s27 =	simm.s32 $execute0_lowered;
	[smem:$0x3FD2] =	sst s26  }
0x1e: {  	s5 =	sshll.u32 s27, $0x1;
	_ =	strace $0x80000049;
	[dreg:$0x1] =	wrdreg $0xFFFFFFFF  }
0x1f: {  	s28 =	simm.s32 $_size_execute0_lowered;
	s3 =	sadd.s32 s3, s5;
	[dreg:$0x0] =	wrdreg $0x0  }
0x20: {  	s5 =	sshll.u32 s28, $0x1;
	[dreg:$0x2] =	wrdreg s3  }
0x21: {  	[dreg:$0x3] =	wrdreg s5  }
0x22: {  	[dreg:$0x4] =	wrdreg $0xC0  }
0x23: {  	_ =	task [dreg:s7], $0x5FFFF  }
0x24: {  	[dreg:$0x1] =	wrdreg $0xFFFFFFFF  }
0x25: {  	[dreg:$0x0] =	wrdreg $0x60  }
0x26: {  	[dreg:$0x2] =	wrdreg s25  }
0x27: {  	[dreg:$0x3] =	wrdreg s2  }
0x28: {  	[dreg:$0x4] =	wrdreg $0x9  }
0x29: {  	_ =	task.clear_ibuf [dreg:s7], $0x5FFFF;
	_ =	strace $0x90000049  }
0x2a: {  	s29 =	simm.s32 $0x9;
	_ =	strace $0x8000004B  }
0x2b: {  	_ =	swait.ge [sflag:s29], $0x1  }
0x2c: {  	[sflag:s29] =	ssyncadd.s32 $0xFFFFFFFF  }
0x2d: {  	_ =	strace $0x9000004B  }
0x2e: {  	_ =	sfence  }
0x2f: {  	s30 =	sld [smem:$0x0];
	_ =	sdelay $0x2  }
0x30: {  	s31 =	sshll.u32 s1, $0xD;
	s1 =	sshrl.u32 s1, $0x2  }
0x31: {  	s3 =	sand.u32 $0x4000, s31;
	s1 =	sadd.s32 s1, s30  }
0x32: {  	s0 =	sor.u32 s3, s0;
	s1 =	sshll.u32 s1, $0x11  }
0x33: {  	s0 =	sor.u32 s1, s0  }
0x34: {  	s0 =	sadd.s32 $0x8F2B, s0  }
0x35: {  	[sflag:s0] =	ssyncadd.remote.s32 $0x1  }
0x36: {  	_ =	sfence.sel $0xFFFF  }
0x37: {  	[dreg:$0x0] =	wrdreg $0xFFFFFFFF;
	(pc) =	sbr.abs _section_cstart, $3  }
0x38: {  	[dreg:$0x1] =	wrdreg $0xFFFFFFFF  }
0x39: {  	_ =	task.clear_ibuf [dreg:s7], $0x2FFFF;
	_ =	strace $0x9FFFFFFF  }
0x3a: {  	(tm) =	ssettm $0x7FFFFFFF  }
0x3b: {  	_ =	shalt  }
tec
execute0_lowered:
.L_overlay_start_1:
0x0: {  	(tag) =	ssettag $0x1  }
0x1: {  	s0 =	srdreg.scid  }
0x2: {  	s1 =	sshll.u32 s0, $0x4  }
0x3: {  	s0 =	stileid.u32;
	s1 =	sand.u32 $0x10, s1  }
0x4: {  	s1 =	sor.u32 s0, s1  }
0x5: {  	s6 =	rddreg [dreg:$0x0];
	s4 =	simm.s32 $0x1;
	s2 =	sshll.u32 s1, $0x7  }
0x6: {  	s7 =	simm.s32 $0x2;
	s12 =	simm.s32 $0x0;
	s1 =	ssub.s32 $0x1000, s2  }
0x7: {  	s8 =	simm.s32 $0x8000;
	s13 =	simm.s32 $0x0;
	s3 =	sand.u32 $0xF80, s1  }
0x8: {  	s9 =	simm.s32 $0x0;
	s5 =	sshrl.u32 s1, $0xC;
	p0 =	sne.s32 s3, $0x0  }
.Ltmp0:
0x9: {  	s1 =	rddreg [dreg:$0x2];
	s4 =	simm.s32 @!p0 $0x0;
	(pc) =	sbr.rel .LBB1_1-.Ltmp0, $4  }
0xa: {  	s11 =	simm.s32 $0x0;
	s3 =	rddreg [dreg:$0x1];
	s5 =	sadd.s32 s4, s5  }
0xb: {  	_ =	strace $0x8000004A;
	s4 =	simm.s32 $0x1;
	s5 =	smul.u32 $0xC8, s5  }
0xc: {  	s6 =	sadd.s32 $0xC00, s6;
	s10 =	smov.u32 s2;
	[sflag:s4] =	ssyncpa.u1 $0x0  }
0xd: {  	p0 =	por $0x0, $0x0;
	[sflag:s7] =	ssyncpa.u1 $0x0;
	s7 =	sor.u32 $0x1, s5  }
.LBB1_4:
0xe: {  	s16 =	sshll.u32 s13, $0x3;
	s17 =	sand.u32 $0x78, s13  }
0xf: {  	s30 =	sand.u32 $0x7E00, s13;
	s12 =	sshll.u32 s12, $0xF;
	s16 =	sand.u32 $0xC00, s16  }
0x10: {  	[tilespmem:s15+$0x810 ss:$0x81] =	vst.msk $0xffff, v2;
	s31 =	sand.u32 $0x7, s13;
	s16 =	sor.u32 s17, s16;
	s17 =	sadd.s32 s3, s30  }
0x11: {  	[tilespmem:s15+$0x1020 ss:$0x81] =	vst.msk $0xffff, v0;
	s13 =	sshll.u32 s31, $0x12;
	s12 =	sadd.s32 s12, s17;
	s16 =	sshrl.u32 s16, $0x3  }
0x12: {  	[tilespmem:s15+$0x0 ss:$0x81] =	vst.msk $0xffff, v1;
	s13 =	sor.u32 $0x400, s13;
	s12 =	sadd.s32 s16, s12  }
0x13: {  	[hbm4b:s12+s13] =	stream.strided.scatter [tilespmem:s14], [sflag:$0x2], $0x2000, s8, s13, $0x20;
	[tilespmem:$0x8080] =	vst v63  }
.LBB1_5:
0x14: {  	s14 =	sadd.s32 $0x1, s9  }
0x15: {  	s12 =	sadd.s32 $0x1000, s10;
	s16 =	smov.u32 s10;
	p2 =	sgt.s32 s14, $0xC7  }
0x16: {  	s16 =	smov.u32 @p2 s12  }
0x17: {  	s14 =	simm.s32 @p2 $0x0;
	p2 =	sgt.s32 s16, $0xFFF  }
0x18: {  	s16 =	smov.u32 @p2 s2;
	p2 =	sne.s32 s11, s7  }
.Ltmp1:
0x19: {  	p1 =	slt.u32 s11, $0x2;
	(pc) =	sbr.rel @!p2 .LBB1_6-.Ltmp1, $4  }
0x1a: {  	s15 =	simm.s32 @!p1 $0x2  }
0x1b: {  	s13 =	smov.u32 s10;
	p0 =	por !p0, !p0;
	_ =	swait.ge @!p1 [sflag:s15], $0x2000  }
0x1c: {  	s12 =	smov.u32 s9;
	[sflag:s15] =	ssyncset.done @!p1 $0x0;
	s9 =	smov.u32 s14  }
0x1d: {  	s11 =	sadd.s32 $0x1, s11;
	[sflag:s15] =	ssyncadd.s32 @!p1 $0xFFFFE000;
	s10 =	smov.u32 s16  }
.LBB1_1:
0x1e: {  	p1 =	sge.u32 s11, s5  }
0x1f: {  	s14 =	sand.u32 @!p1 $0x1FFFFFF, s9  }
0x20: {  	s15 =	smulhi.u32 @!p1 $0x147AE15, s14;
	_ =	sdelay $0x1  }
0x21: {  	s15 =	smul.u32 @!p1 $0xC8, s15  }
0x22: {  	s16 =	sxor.u32 @!p1 $0xFFFFFFFF, s11;
	s17 =	smul.u32 @!p1 $0xC80, s10  }
0x23: {  	s31 =	sadd.s32 $0xFFFFFFFF, s11;
	s16 =	sshll.u32 @!p1 s16, $0xD;
	s14 =	ssub.s32 @!p1 s14, s15  }
0x24: {  	s15 =	sand.u32 @!p1 $0x2000, s16;
	s16 =	sadd.s32 @!p1 s6, s17;
	s14 =	sshll.u32 @!p1 s14, $0x4  }
0x25: {  	s17 =	simm.s32 @!p1 $0x6400;
	s14 =	sadd.s32 @!p1 s14, s16;
	s16 =	simm.s32 @!p1 $0x40  }
0x26: {  	[tilespmem:s15], [sflag:$0x1] =	stream.strided.gather @!p1 [hbm4b:s14+s16], $0x2000, s17, s16, $0x38;
	[tilespmem:$0x8080] =	vst v63  }
0x27: {  	p1 =	sge.u32 s31, s5  }
.Ltmp2:
0x28: {  	_ = 	snop;
	(pc) =	sbr.rel @p1 .LBB1_5-.Ltmp2, $1  }
0x29: {  	_ =	sdelay $0x3  }
0x2a: {  	s14 =	simm.s32 $0x1  }
0x2b: {  	_ =	swait.ge [sflag:s4], $0x2000;
	s14 =	simm.s32 @!p0 $0x0  }
0x2c: {  	[sflag:s4] =	ssyncset.done $0x0;
	s15 =	sshll.u32 s14, $0xD  }
0x2d: {  	[sflag:s4] =	ssyncadd.s32 $0xFFFFE000;
	s18 =	sor.u32 $0x20, s15  }
0x2e: {  	s14 =	smul.u32 $0x8100, s14;
	v3 =	vld [tilespmem:s18+$0x10]  }
0x2f: {  	s30 =	sand.u32 $0x1, s11;
	v2 =	vld [tilespmem:s18+$0xFFFFFFF0]  }
0x30: {  	s15 =	smul.u32 $0x8100, s30;
	s14 =	sshrl.u32 s14, $0x2;
	v0 =	vld [tilespmem:s18+$0x0]  }
0x31: {  	v1 =	vld [tilespmem:s18+$0xFFFFFFE0];
	s16 =	sor.u32 $0x4000, s14  }
0x32: {  	s31 =	sshrl.u32 s15, $0x2;
	s15 =	sadd.s32 $0x0, s16  }
0x33: {  	s17 =	simm.s32 $0x4;
	s18 =	sadd.s32 $0x40, s18;
	s14 =	sor.u32 $0x4000, s31;
	[tilespmem:s15+$0x1830 ss:$0x81] =	vst.msk $0xffff, v3  }
.LBB1_3:
0x34: {  	v3 =	vld [tilespmem:s18+$0x10];
	p1 =	sne.s32 s17, $0x1FC;
	[tilespmem:s15+$0x810 ss:$0x81] =	vst.msk $0xffff, v2;
	s19 =	smov.u32 s17;
	s17 =	sadd.s32 $0x4, s17  }
.Ltmp3:
0x35: {  	v2 =	vld [tilespmem:s18+$0xFFFFFFF0];
	[tilespmem:s15+$0x1020 ss:$0x81] =	vst.msk $0xffff, v0;
	(pc) =	sbr.rel @p1 .LBB1_3-.Ltmp3, $4  }
0x36: {  	v0 =	vld [tilespmem:s18+$0x0];
	[tilespmem:s15+$0x0 ss:$0x81] =	vst.msk $0xffff, v1  }
0x37: {  	s15 =	sshra.s32 s19, $0x2;
	v1 =	vld [tilespmem:s18+$0xFFFFFFE0]  }
0x38: {  	s15 =	sadd.s32 s15, s16  }
0x39: {  	s18 =	sadd.s32 $0x40, s18;
	[tilespmem:s15+$0x1830 ss:$0x81] =	vst.msk $0xffff, v3  }
.Ltmp4:
0x3a: {  	_ = 	snop;
	(pc) =	sbr.rel .LBB1_4-.Ltmp4, $1  }
0x3b: {  	_ =	sdelay $0x3  }
.LBB1_6:
0x3c: {  	_ =	sfence.sel $0x180000  }
0x3d: {  	s2 =	simm.s32 $0x1;
	[bflag:$0x0] =	sbarrier.arrive $0xFFFF  }
0x3e: {  	s31 =	simm.s32 $0x2;
	[sflag:s2] =	ssyncpa.u1 $0x1  }
0x3f: {  	[sflag:s31] =	ssyncpa.u1 $0x1  }
0x40: {  	p0 =	sne.s32 s0, $0x0;
	_ =	strace $0x9000004A  }
0x41: {  	s0 =	sadd.s32 @!p0 $0x100000, s1;
	[bflag:$0x2] =	sbarrier.arrive $0xFFFF  }
0x42: {  	[sflag:s0] =	ssyncadd.tile.s32 @!p0 $0x1;
	_ =	shalt  }
.Lfunc_end1:
_tile_overlayer_lowered:
.L_overlay_start_2:
0x43: {  	(tag) =	ssettag $0x2  }
0x44: {  	s0 =	rddreg [dreg:$0x0];
	s2 =	stileid.u32  }
0x45: {  	s1 =	rddreg [dreg:$0x1];
	p0 =	sne.s32 s2, $0x0  }
0x46: {  	s3 =	rddreg [dreg:$0x2];
	[bflag:$0x3] =	sbarrier.arrive $0xFFFF;
	s2 =	simm.s32 @!p0 $0x1C01  }
0x47: {  	[timem:s3], [sflag:s2] =	dma.local @!p0 [hbm:s0], s1  }
0x48: {  	s0 =	simm.s32 @!p0 $0x1  }
0x49: {  	_ =	swait.ge @!p0 [sflag:s0], s1  }
0x4a: {  	s1 =	ssub.s32 @!p0 $0x0, s1;
	[sflag:s0] =	ssyncset.done @!p0 $0x0  }
0x4b: {  	[sflag:s0] =	ssyncadd.s32 @!p0 s1  }
0x4c: {  	[bflag:$0x3] =	sbarrier.arrive $0xFFFF  }
0x4d: {  	_ =	shalt  }

</sc_bundles>
